<compile_context>
chip_gen: v7x
topology: tpu7x:2x2x1
jax: 0.10.2.dev20260603
libtpu: 0.0.44.dev20260713+nightly
codegen_flags: <defaults>
</compile_context>

<pallas_src>
import functools

import jax
import jax.numpy as jnp
from jax import lax
from jax.experimental import pallas as pl
from jax.experimental.pallas import tpu as pltpu
from jax.experimental.pallas import tpu_sc as plsc

S = 16384
DIM = 2048
E = 16
K = 2
TS = 2048

NC = 2
NS = 16
NW = NC * NS
TPW = S // NW
GRP = TPW // 16


def _gate_tc_body(x_ref, w_ref, b_ref, probs_t_ref, imp_ref, imp_acc):
    step = pl.program_id(0)
    nsteps = pl.num_programs(0)

    logits = jnp.dot(x_ref[...], w_ref[...],
                     preferred_element_type=jnp.float32) + b_ref[...]
    m = jnp.max(logits, axis=-1, keepdims=True)
    ex = jnp.exp(logits - m)
    denom = jnp.sum(ex, axis=-1, keepdims=True)
    probs = ex / denom

    probs_t_ref[...] = probs.T

    imp_part = jnp.sum(probs, axis=0, keepdims=True)

    @pl.when(step == 0)
    def _init():
        imp_acc[...] = imp_part

    @pl.when(step != 0)
    def _accum():
        imp_acc[...] += imp_part

    @pl.when(step == nsteps - 1)
    def _finalize():
        imp_ref[...] = imp_acc[...]


def _probs_and_importance(x, W, b):
    b2 = b.reshape(1, E)
    return pl.pallas_call(
        _gate_tc_body,
        grid=(S // TS,),
        in_specs=[
            pl.BlockSpec((TS, DIM), lambda i: (i, 0)),
            pl.BlockSpec((DIM, E), lambda i: (0, 0)),
            pl.BlockSpec((1, E), lambda i: (0, 0)),
        ],
        out_specs=(
            pl.BlockSpec((E, TS), lambda i: (0, i)),
            pl.BlockSpec((1, E), lambda i: (0, 0)),
        ),
        out_shape=(
            jax.ShapeDtypeStruct((E, S), jnp.float32),
            jax.ShapeDtypeStruct((1, E), jnp.float32),
        ),
        scratch_shapes=[pltpu.VMEM((1, E), jnp.float32)],
        compiler_params=pltpu.CompilerParams(
            dimension_semantics=("arbitrary",),
            vmem_limit_bytes=50 * 1024 * 1024,
        ),
    )(x, W, b2)


def _topk_sc(probs_t):
    mesh = plsc.VectorSubcoreMesh(core_axis_name="c", subcore_axis_name="s",
                                  num_cores=NC)

    @functools.partial(
        pl.kernel,
        mesh=mesh,
        out_type=(
            jax.ShapeDtypeStruct((K, S), jnp.int32),
            jax.ShapeDtypeStruct((K, S), jnp.float32),
            jax.ShapeDtypeStruct((NW, E), jnp.float32),
        ),
        scratch_types=[
            pltpu.VMEM((E, TPW), jnp.float32),
            pltpu.VMEM((K, TPW), jnp.int32),
            pltpu.VMEM((K, TPW), jnp.float32),
            pltpu.VMEM((E,), jnp.float32),
        ],
        compiler_params=pltpu.CompilerParams(needs_layout_passes=False),
    )
    def sck(probs_hbm, idx_hbm, vals_hbm, hist_hbm,
            probs_v, idx_v, vals_v, hist_v):
        cid = lax.axis_index("c")
        sid = lax.axis_index("s")
        wid = cid * NS + sid
        base = wid * TPW

        pltpu.sync_copy(probs_hbm.at[:, pl.ds(base, TPW)], probs_v)

        hist_v[...] = jnp.zeros((E,), jnp.float32)
        ones_f = jnp.ones((16,), jnp.float32)

        def group(g, carry):
            t0 = g * 16
            v1 = jnp.full((16,), -jnp.inf, jnp.float32)
            v2 = jnp.full((16,), -jnp.inf, jnp.float32)
            i1 = jnp.zeros((16,), jnp.int32)
            i2 = jnp.zeros((16,), jnp.int32)
            for e in range(E):
                p = probs_v[e, pl.ds(t0, 16)]
                gt1 = p > v1
                gt2 = jnp.logical_and(jnp.logical_not(gt1), p > v2)
                i2 = jnp.where(gt1, i1, jnp.where(gt2, e, i2))
                v2 = jnp.where(gt1, v1, jnp.where(gt2, p, v2))
                i1 = jnp.where(gt1, e, i1)
                v1 = jnp.where(gt1, p, v1)
            idx_v[0, pl.ds(t0, 16)] = i1
            idx_v[1, pl.ds(t0, 16)] = i2
            vals_v[0, pl.ds(t0, 16)] = v1
            vals_v[1, pl.ds(t0, 16)] = v2
            plsc.addupdate_scatter(hist_v, [i1], ones_f)
            return carry

        lax.fori_loop(0, GRP, group, 0)

        pltpu.sync_copy(idx_v, idx_hbm.at[:, pl.ds(base, TPW)])
        pltpu.sync_copy(vals_v, vals_hbm.at[:, pl.ds(base, TPW)])
        pltpu.sync_copy(hist_v, hist_hbm.at[wid])

    return sck(probs_t)


def _aux_body(hists_ref, imp_ref, aux_ref):
    load_raw = jnp.sum(hists_ref[...], axis=0, keepdims=True)
    dot = jnp.sum(load_raw * imp_ref[...], axis=-1, keepdims=True)
    aux_ref[...] = dot * jnp.float32(E) / jnp.float32(S) / jnp.float32(S)


def _aux_tc(hists, imp_raw):
    return pl.pallas_call(
        _aux_body,
        out_shape=jax.ShapeDtypeStruct((1, 1), jnp.float32),
    )(hists, imp_raw)


def kernel(x, W, b):
    probs_t, imp_raw = _probs_and_importance(x, W, b)
    idx_t, vals_t, hists = _topk_sc(probs_t)
    aux = _aux_tc(hists, imp_raw)
    return (idx_t.T, vals_t.T, aux[0, 0])

# --- scband reference (transcript-rebuilt; emitter-appended) ---
"""Pipeline reference for scband-top-kgate-51977694216448 (READ-ONLY COPY).

The authoritative reference and input builder live on the scoring server;
editing this copy changes nothing except your own understanding.
"""

import jax, jax.numpy as jnp
import numpy as np

S = 16384
DIM = 2048
E = 16
K = 2

def setup_inputs(seed: int = 0) -> dict:
    key = jax.random.key(seed)
    k1, k2, k3 = jax.random.split(key, 3)
    x = jax.random.normal(k1, (S, DIM), dtype=jnp.float32)
    W = jax.random.normal(k2, (DIM, E), dtype=jnp.float32) * 0.02
    b = jnp.zeros((E,), dtype=jnp.float32)
    return {"x": x, "W": W, "b": b}

def reference(x, W, b):
    logits = x @ W + b
    probs = jax.nn.softmax(logits, axis=-1)
    topk_vals, topk_idx = jax.lax.top_k(probs, K)
    s, e = probs.shape
    importance = probs.mean(axis=0)
    hard1 = topk_idx[:, 0]
    load = jnp.zeros((e,), dtype=jnp.float32).at[hard1].add(1.0)
    load = load / max(s, 1)
    aux_loss = e * (importance * load).sum()
    return (topk_idx, topk_vals, aux_loss)

if __name__ == "__main__":
    import jax
    _d = setup_inputs()
    print(jax.jit(kernel)(*tuple(_d.values())))

</pallas_src>

<mosaic_0001>
#map = affine_map<(d0, d1) -> (0, 0)>
module attributes {stable_mosaic.version = 14 : i64} {
  func.func @sck(%arg0: i32, %arg1: i32, %arg2: memref<16x16384xf32, #tpu.memory_space<hbm>>, %arg3: memref<2x16384xi32, #tpu.memory_space<hbm>>, %arg4: memref<2x16384xf32, #tpu.memory_space<hbm>>, %arg5: memref<32x16xf32, #tpu.memory_space<hbm>>, %arg6: memref<16x512xf32, #tpu.memory_space<vmem>>, %arg7: memref<2x512xi32, #tpu.memory_space<vmem>>, %arg8: memref<2x512xf32, #tpu.memory_space<vmem>>, %arg9: memref<16xf32, #tpu.memory_space<vmem>>) attributes {dimension_semantics = [#tpu.dimension_semantics<core_parallel>, #tpu.dimension_semantics<subcore_parallel>], iteration_bounds = array<i64: 2, 16>, scalar_prefetch = 0 : i64, scratch_operands = 4 : i64, tpu.core_type = #tpu.core_type<sc_vector_subcore>, window_params = [{transform_indices = #map}, {transform_indices = #map}, {transform_indices = #map}, {transform_indices = #map}]} {
    %mul3A = arith.constant 16 : i32
    %mul3A_0 = arith.muli %arg0, %mul3A : i32
    %add3A = arith.addi %mul3A_0, %arg1 : i32
    %mul3A_1 = arith.constant 512 : i32
    %mul3A_2 = arith.muli %add3A, %mul3A_1 : i32
    "tpu.region"() ({
      %run_scoped3A = tpu.sem_alloc : memref<!tpu.dma_semaphore, #tpu.memory_space<semaphore_mem>>
      %dma_start3A = arith.constant 0 : i32
      %dma_start3A_12 = tpu.memref_slice %arg2[%dma_start3A, %mul3A_2] : memref<16x16384xf32, #tpu.memory_space<hbm>> -> memref<16x512xf32, #tpu.memory_space<hbm>>
      %dma_start3A_13 = arith.constant 0 : i32
      %dma_start3A_14 = tpu.memref_slice %arg2[%dma_start3A_13, %mul3A_2] : memref<16x16384xf32, #tpu.memory_space<hbm>> -> memref<16x512xf32, #tpu.memory_space<hbm>>
      tpu.enqueue_dma source(%dma_start3A_14 : memref<16x512xf32, #tpu.memory_space<hbm>>) target(%arg6 : memref<16x512xf32, #tpu.memory_space<vmem>>) target_semaphore(%run_scoped3A : memref<!tpu.dma_semaphore, #tpu.memory_space<semaphore_mem>>)
      %dma_wait3A = arith.constant 0 : i32
      %dma_wait3A_15 = tpu.memref_slice %arg2[%dma_wait3A, %mul3A_2] : memref<16x16384xf32, #tpu.memory_space<hbm>> -> memref<16x512xf32, #tpu.memory_space<hbm>>
      %dma_wait3A_16 = arith.constant 0 : i32
      %dma_wait3A_17 = tpu.memref_slice %arg2[%dma_wait3A_16, %mul3A_2] : memref<16x16384xf32, #tpu.memory_space<hbm>> -> memref<16x512xf32, #tpu.memory_space<hbm>>
      tpu.wait_dma2 semaphore(%run_scoped3A : memref<!tpu.dma_semaphore, #tpu.memory_space<semaphore_mem>>) src(%dma_wait3A_17 : memref<16x512xf32, #tpu.memory_space<hbm>>) dst(%arg6 : memref<16x512xf32, #tpu.memory_space<vmem>>)
      tpu.yield
    }) : () -> ()
    %broadcast_in_dim3A = arith.constant 0.000000e+00 : f32
    %broadcast_in_dim3A_3 = vector.broadcast %broadcast_in_dim3A : f32 to vector<16xf32>
    %swap3A = arith.constant 0 : index
    %swap3A_4 = tpu.vector_load %arg9[%swap3A] {strides = array<i32>} : memref<16xf32, #tpu.memory_space<vmem>>, vector<16xf32>,
    tpu.vector_store %arg9[%swap3A], %broadcast_in_dim3A_3 {strides = array<i32>} : memref<16xf32, #tpu.memory_space<vmem>>, vector<16xf32>,
    %broadcast_in_dim3A_5 = arith.constant 1.000000e+00 : f32
    %broadcast_in_dim3A_6 = vector.broadcast %broadcast_in_dim3A_5 : f32 to vector<16xf32>
    %scan3A = arith.constant 0 : i32
    %scan3A_7 = arith.constant 0 : i32
    %scan3A_8 = arith.constant 32 : i32
    %scan3A_9 = arith.addi %scan3A_7, %scan3A_8 : i32
    %scan3A_10 = arith.constant 1 : i32
    scf.for %scan3A_12 = %scan3A_7 to %scan3A_9 step %scan3A_10  : i32 {
      %mul3A_13 = arith.constant 16 : i32
      %mul3A_14 = arith.muli %scan3A_12, %mul3A_13 : i32
      %broadcast_in_dim3A_15 = arith.constant 0xFF800000 : f32
      %broadcast_in_dim3A_16 = vector.broadcast %broadcast_in_dim3A_15 : f32 to vector<16xf32>
      %broadcast_in_dim3A_17 = arith.constant 0xFF800000 : f32
      %broadcast_in_dim3A_18 = vector.broadcast %broadcast_in_dim3A_17 : f32 to vector<16xf32>
      %broadcast_in_dim3A_19 = arith.constant 0 : i32
      %broadcast_in_dim3A_20 = vector.broadcast %broadcast_in_dim3A_19 : i32 to vector<16xi32>
      %broadcast_in_dim3A_21 = arith.constant 0 : i32
      %broadcast_in_dim3A_22 = vector.broadcast %broadcast_in_dim3A_21 : i32 to vector<16xi32>
      %get3A = arith.constant 0 : i32
      %get3A_23 = arith.index_cast %get3A : i32 to index
      %get3A_24 = arith.index_cast %mul3A_14 : i32 to index
      %get3A_25 = tpu.vector_load %arg6[%get3A_23, %get3A_24] {strides = array<i32>} : memref<16x512xf32, #tpu.memory_space<vmem>>, vector<16xf32>,
      %gt3A = arith.cmpf ogt, %get3A_25, %broadcast_in_dim3A_16 : vector<16xf32>
      %not3A = arith.constant dense<true> : vector<16xi1>
      %not3A_26 = arith.xori %gt3A, %not3A : vector<16xi1>
      %gt3A_27 = arith.cmpf ogt, %get3A_25, %broadcast_in_dim3A_18 : vector<16xf32>
      %and3A = arith.andi %not3A_26, %gt3A_27 : vector<16xi1>
      %jit3A = arith.constant 0 : i32
      %broadcast_in_dim3A_28 = vector.broadcast %jit3A : i32 to vector<16xi32>
      %select_n3A = arith.select %and3A, %broadcast_in_dim3A_28, %broadcast_in_dim3A_22 : vector<16xi1>, vector<16xi32>
      %select_n3A_29 = arith.select %gt3A, %broadcast_in_dim3A_20, %select_n3A : vector<16xi1>, vector<16xi32>
      %select_n3A_30 = arith.select %and3A, %get3A_25, %broadcast_in_dim3A_18 : vector<16xi1>, vector<16xf32>
      %select_n3A_31 = arith.select %gt3A, %broadcast_in_dim3A_16, %select_n3A_30 : vector<16xi1>, vector<16xf32>
      %jit3A_32 = arith.constant 0 : i32
      %broadcast_in_dim3A_33 = vector.broadcast %jit3A_32 : i32 to vector<16xi32>
      %select_n3A_34 = arith.select %gt3A, %broadcast_in_dim3A_33, %broadcast_in_dim3A_20 : vector<16xi1>, vector<16xi32>
      %select_n3A_35 = arith.select %gt3A, %get3A_25, %broadcast_in_dim3A_16 : vector<16xi1>, vector<16xf32>
      %get3A_36 = arith.constant 1 : i32
      %get3A_37 = arith.index_cast %get3A_36 : i32 to index
      %get3A_38 = arith.index_cast %mul3A_14 : i32 to index
      %get3A_39 = tpu.vector_load %arg6[%get3A_37, %get3A_38] {strides = array<i32>} : memref<16x512xf32, #tpu.memory_space<vmem>>, vector<16xf32>,
      %gt3A_40 = arith.cmpf ogt, %get3A_39, %select_n3A_35 : vector<16xf32>
      %not3A_41 = arith.constant dense<true> : vector<16xi1>
      %not3A_42 = arith.xori %gt3A_40, %not3A_41 : vector<16xi1>
      %gt3A_43 = arith.cmpf ogt, %get3A_39, %select_n3A_31 : vector<16xf32>
      %and3A_44 = arith.andi %not3A_42, %gt3A_43 : vector<16xi1>
      %jit3A_45 = arith.constant 1 : i32
      %broadcast_in_dim3A_46 = vector.broadcast %jit3A_45 : i32 to vector<16xi32>
      %select_n3A_47 = arith.select %and3A_44, %broadcast_in_dim3A_46, %select_n3A_29 : vector<16xi1>, vector<16xi32>
      %select_n3A_48 = arith.select %gt3A_40, %select_n3A_34, %select_n3A_47 : vector<16xi1>, vector<16xi32>
      %select_n3A_49 = arith.select %and3A_44, %get3A_39, %select_n3A_31 : vector<16xi1>, vector<16xf32>
      %select_n3A_50 = arith.select %gt3A_40, %select_n3A_35, %select_n3A_49 : vector<16xi1>, vector<16xf32>
      %jit3A_51 = arith.constant 1 : i32
      %broadcast_in_dim3A_52 = vector.broadcast %jit3A_51 : i32 to vector<16xi32>
      %select_n3A_53 = arith.select %gt3A_40, %broadcast_in_dim3A_52, %select_n3A_34 : vector<16xi1>, vector<16xi32>
      %select_n3A_54 = arith.select %gt3A_40, %get3A_39, %select_n3A_35 : vector<16xi1>, vector<16xf32>
      %get3A_55 = arith.constant 2 : i32
      %get3A_56 = arith.index_cast %get3A_55 : i32 to index
      %get3A_57 = arith.index_cast %mul3A_14 : i32 to index
      %get3A_58 = tpu.vector_load %arg6[%get3A_56, %get3A_57] {strides = array<i32>} : memref<16x512xf32, #tpu.memory_space<vmem>>, vector<16xf32>,
      %gt3A_59 = arith.cmpf ogt, %get3A_58, %select_n3A_54 : vector<16xf32>
      %not3A_60 = arith.constant dense<true> : vector<16xi1>
      %not3A_61 = arith.xori %gt3A_59, %not3A_60 : vector<16xi1>
      %gt3A_62 = arith.cmpf ogt, %get3A_58, %select_n3A_50 : vector<16xf32>
      %and3A_63 = arith.andi %not3A_61, %gt3A_62 : vector<16xi1>
      %jit3A_64 = arith.constant 2 : i32
      %broadcast_in_dim3A_65 = vector.broadcast %jit3A_64 : i32 to vector<16xi32>
      %select_n3A_66 = arith.select %and3A_63, %broadcast_in_dim3A_65, %select_n3A_48 : vector<16xi1>, vector<16xi32>
      %select_n3A_67 = arith.select %gt3A_59, %select_n3A_53, %select_n3A_66 : vector<16xi1>, vector<16xi32>
      %select_n3A_68 = arith.select %and3A_63, %get3A_58, %select_n3A_50 : vector<16xi1>, vector<16xf32>
      %select_n3A_69 = arith.select %gt3A_59, %select_n3A_54, %select_n3A_68 : vector<16xi1>, vector<16xf32>
      %jit3A_70 = arith.constant 2 : i32
      %broadcast_in_dim3A_71 = vector.broadcast %jit3A_70 : i32 to vector<16xi32>
      %select_n3A_72 = arith.select %gt3A_59, %broadcast_in_dim3A_71, %select_n3A_53 : vector<16xi1>, vector<16xi32>
      %select_n3A_73 = arith.select %gt3A_59, %get3A_58, %select_n3A_54 : vector<16xi1>, vector<16xf32>
      %get3A_74 = arith.constant 3 : i32
      %get3A_75 = arith.index_cast %get3A_74 : i32 to index
      %get3A_76 = arith.index_cast %mul3A_14 : i32 to index
      %get3A_77 = tpu.vector_load %arg6[%get3A_75, %get3A_76] {strides = array<i32>} : memref<16x512xf32, #tpu.memory_space<vmem>>, vector<16xf32>,
      %gt3A_78 = arith.cmpf ogt, %get3A_77, %select_n3A_73 : vector<16xf32>
      %not3A_79 = arith.constant dense<true> : vector<16xi1>
      %not3A_80 = arith.xori %gt3A_78, %not3A_79 : vector<16xi1>
      %gt3A_81 = arith.cmpf ogt, %get3A_77, %select_n3A_69 : vector<16xf32>
      %and3A_82 = arith.andi %not3A_80, %gt3A_81 : vector<16xi1>
      %jit3A_83 = arith.constant 3 : i32
      %broadcast_in_dim3A_84 = vector.broadcast %jit3A_83 : i32 to vector<16xi32>
      %select_n3A_85 = arith.select %and3A_82, %broadcast_in_dim3A_84, %select_n3A_67 : vector<16xi1>, vector<16xi32>
      %select_n3A_86 = arith.select %gt3A_78, %select_n3A_72, %select_n3A_85 : vector<16xi1>, vector<16xi32>
      %select_n3A_87 = arith.select %and3A_82, %get3A_77, %select_n3A_69 : vector<16xi1>, vector<16xf32>
      %select_n3A_88 = arith.select %gt3A_78, %select_n3A_73, %select_n3A_87 : vector<16xi1>, vector<16xf32>
      %jit3A_89 = arith.constant 3 : i32
      %broadcast_in_dim3A_90 = vector.broadcast %jit3A_89 : i32 to vector<16xi32>
      %select_n3A_91 = arith.select %gt3A_78, %broadcast_in_dim3A_90, %select_n3A_72 : vector<16xi1>, vector<16xi32>
      %select_n3A_92 = arith.select %gt3A_78, %get3A_77, %select_n3A_73 : vector<16xi1>, vector<16xf32>
      %get3A_93 = arith.constant 4 : i32
      %get3A_94 = arith.index_cast %get3A_93 : i32 to index
      %get3A_95 = arith.index_cast %mul3A_14 : i32 to index
      %get3A_96 = tpu.vector_load %arg6[%get3A_94, %get3A_95] {strides = array<i32>} : memref<16x512xf32, #tpu.memory_space<vmem>>, vector<16xf32>,
      %gt3A_97 = arith.cmpf ogt, %get3A_96, %select_n3A_92 : vector<16xf32>
      %not3A_98 = arith.constant dense<true> : vector<16xi1>
      %not3A_99 = arith.xori %gt3A_97, %not3A_98 : vector<16xi1>
      %gt3A_100 = arith.cmpf ogt, %get3A_96, %select_n3A_88 : vector<16xf32>
      %and3A_101 = arith.andi %not3A_99, %gt3A_100 : vector<16xi1>
      %jit3A_102 = arith.constant 4 : i32
      %broadcast_in_dim3A_103 = vector.broadcast %jit3A_102 : i32 to vector<16xi32>
      %select_n3A_104 = arith.select %and3A_101, %broadcast_in_dim3A_103, %select_n3A_86 : vector<16xi1>, vector<16xi32>
      %select_n3A_105 = arith.select %gt3A_97, %select_n3A_91, %select_n3A_104 : vector<16xi1>, vector<16xi32>
      %select_n3A_106 = arith.select %and3A_101, %get3A_96, %select_n3A_88 : vector<16xi1>, vector<16xf32>
      %select_n3A_107 = arith.select %gt3A_97, %select_n3A_92, %select_n3A_106 : vector<16xi1>, vector<16xf32>
      %jit3A_108 = arith.constant 4 : i32
      %broadcast_in_dim3A_109 = vector.broadcast %jit3A_108 : i32 to vector<16xi32>
      %select_n3A_110 = arith.select %gt3A_97, %broadcast_in_dim3A_109, %select_n3A_91 : vector<16xi1>, vector<16xi32>
      %select_n3A_111 = arith.select %gt3A_97, %get3A_96, %select_n3A_92 : vector<16xi1>, vector<16xf32>
      %get3A_112 = arith.constant 5 : i32
      %get3A_113 = arith.index_cast %get3A_112 : i32 to index
      %get3A_114 = arith.index_cast %mul3A_14 : i32 to index
      %get3A_115 = tpu.vector_load %arg6[%get3A_113, %get3A_114] {strides = array<i32>} : memref<16x512xf32, #tpu.memory_space<vmem>>, vector<16xf32>,
      %gt3A_116 = arith.cmpf ogt, %get3A_115, %select_n3A_111 : vector<16xf32>
      %not3A_117 = arith.constant dense<true> : vector<16xi1>
      %not3A_118 = arith.xori %gt3A_116, %not3A_117 : vector<16xi1>
      %gt3A_119 = arith.cmpf ogt, %get3A_115, %select_n3A_107 : vector<16xf32>
      %and3A_120 = arith.andi %not3A_118, %gt3A_119 : vector<16xi1>
      %jit3A_121 = arith.constant 5 : i32
      %broadcast_in_dim3A_122 = vector.broadcast %jit3A_121 : i32 to vector<16xi32>
      %select_n3A_123 = arith.select %and3A_120, %broadcast_in_dim3A_122, %select_n3A_105 : vector<16xi1>, vector<16xi32>
      %select_n3A_124 = arith.select %gt3A_116, %select_n3A_110, %select_n3A_123 : vector<16xi1>, vector<16xi32>
      %select_n3A_125 = arith.select %and3A_120, %get3A_115, %select_n3A_107 : vector<16xi1>, vector<16xf32>
      %select_n3A_126 = arith.select %gt3A_116, %select_n3A_111, %select_n3A_125 : vector<16xi1>, vector<16xf32>
      %jit3A_127 = arith.constant 5 : i32
      %broadcast_in_dim3A_128 = vector.broadcast %jit3A_127 : i32 to vector<16xi32>
      %select_n3A_129 = arith.select %gt3A_116, %broadcast_in_dim3A_128, %select_n3A_110 : vector<16xi1>, vector<16xi32>
      %select_n3A_130 = arith.select %gt3A_116, %get3A_115, %select_n3A_111 : vector<16xi1>, vector<16xf32>
      %get3A_131 = arith.constant 6 : i32
      %get3A_132 = arith.index_cast %get3A_131 : i32 to index
      %get3A_133 = arith.index_cast %mul3A_14 : i32 to index
      %get3A_134 = tpu.vector_load %arg6[%get3A_132, %get3A_133] {strides = array<i32>} : memref<16x512xf32, #tpu.memory_space<vmem>>, vector<16xf32>,
      %gt3A_135 = arith.cmpf ogt, %get3A_134, %select_n3A_130 : vector<16xf32>
      %not3A_136 = arith.constant dense<true> : vector<16xi1>
      %not3A_137 = arith.xori %gt3A_135, %not3A_136 : vector<16xi1>
      %gt3A_138 = arith.cmpf ogt, %get3A_134, %select_n3A_126 : vector<16xf32>
      %and3A_139 = arith.andi %not3A_137, %gt3A_138 : vector<16xi1>
      %jit3A_140 = arith.constant 6 : i32
      %broadcast_in_dim3A_141 = vector.broadcast %jit3A_140 : i32 to vector<16xi32>
      %select_n3A_142 = arith.select %and3A_139, %broadcast_in_dim3A_141, %select_n3A_124 : vector<16xi1>, vector<16xi32>
      %select_n3A_143 = arith.select %gt3A_135, %select_n3A_129, %select_n3A_142 : vector<16xi1>, vector<16xi32>
      %select_n3A_144 = arith.select %and3A_139, %get3A_134, %select_n3A_126 : vector<16xi1>, vector<16xf32>
      %select_n3A_145 = arith.select %gt3A_135, %select_n3A_130, %select_n3A_144 : vector<16xi1>, vector<16xf32>
      %jit3A_146 = arith.constant 6 : i32
      %broadcast_in_dim3A_147 = vector.broadcast %jit3A_146 : i32 to vector<16xi32>
      %select_n3A_148 = arith.select %gt3A_135, %broadcast_in_dim3A_147, %select_n3A_129 : vector<16xi1>, vector<16xi32>
      %select_n3A_149 = arith.select %gt3A_135, %get3A_134, %select_n3A_130 : vector<16xi1>, vector<16xf32>
      %get3A_150 = arith.constant 7 : i32
      %get3A_151 = arith.index_cast %get3A_150 : i32 to index
      %get3A_152 = arith.index_cast %mul3A_14 : i32 to index
      %get3A_153 = tpu.vector_load %arg6[%get3A_151, %get3A_152] {strides = array<i32>} : memref<16x512xf32, #tpu.memory_space<vmem>>, vector<16xf32>,
      %gt3A_154 = arith.cmpf ogt, %get3A_153, %select_n3A_149 : vector<16xf32>
      %not3A_155 = arith.constant dense<true> : vector<16xi1>
      %not3A_156 = arith.xori %gt3A_154, %not3A_155 : vector<16xi1>
      %gt3A_157 = arith.cmpf ogt, %get3A_153, %select_n3A_145 : vector<16xf32>
      %and3A_158 = arith.andi %not3A_156, %gt3A_157 : vector<16xi1>
      %jit3A_159 = arith.constant 7 : i32
      %broadcast_in_dim3A_160 = vector.broadcast %jit3A_159 : i32 to vector<16xi32>
      %select_n3A_161 = arith.select %and3A_158, %broadcast_in_dim3A_160, %select_n3A_143 : vector<16xi1>, vector<16xi32>
      %select_n3A_162 = arith.select %gt3A_154, %select_n3A_148, %select_n3A_161 : vector<16xi1>, vector<16xi32>
      %select_n3A_163 = arith.select %and3A_158, %get3A_153, %select_n3A_145 : vector<16xi1>, vector<16xf32>
      %select_n3A_164 = arith.select %gt3A_154, %select_n3A_149, %select_n3A_163 : vector<16xi1>, vector<16xf32>
      %jit3A_165 = arith.constant 7 : i32
      %broadcast_in_dim3A_166 = vector.broadcast %jit3A_165 : i32 to vector<16xi32>
      %select_n3A_167 = arith.select %gt3A_154, %broadcast_in_dim3A_166, %select_n3A_148 : vector<16xi1>, vector<16xi32>
      %select_n3A_168 = arith.select %gt3A_154, %get3A_153, %select_n3A_149 : vector<16xi1>, vector<16xf32>
      %get3A_169 = arith.constant 8 : i32
      %get3A_170 = arith.index_cast %get3A_169 : i32 to index
      %get3A_171 = arith.index_cast %mul3A_14 : i32 to index
      %get3A_172 = tpu.vector_load %arg6[%get3A_170, %get3A_171] {strides = array<i32>} : memref<16x512xf32, #tpu.memory_space<vmem>>, vector<16xf32>,
      %gt3A_173 = arith.cmpf ogt, %get3A_172, %select_n3A_168 : vector<16xf32>
      %not3A_174 = arith.constant dense<true> : vector<16xi1>
      %not3A_175 = arith.xori %gt3A_173, %not3A_174 : vector<16xi1>
      %gt3A_176 = arith.cmpf ogt, %get3A_172, %select_n3A_164 : vector<16xf32>
      %and3A_177 = arith.andi %not3A_175, %gt3A_176 : vector<16xi1>
      %jit3A_178 = arith.constant 8 : i32
      %broadcast_in_dim3A_179 = vector.broadcast %jit3A_178 : i32 to vector<16xi32>
      %select_n3A_180 = arith.select %and3A_177, %broadcast_in_dim3A_179, %select_n3A_162 : vector<16xi1>, vector<16xi32>
      %select_n3A_181 = arith.select %gt3A_173, %select_n3A_167, %select_n3A_180 : vector<16xi1>, vector<16xi32>
      %select_n3A_182 = arith.select %and3A_177, %get3A_172, %select_n3A_164 : vector<16xi1>, vector<16xf32>
      %select_n3A_183 = arith.select %gt3A_173, %select_n3A_168, %select_n3A_182 : vector<16xi1>, vector<16xf32>
      %jit3A_184 = arith.constant 8 : i32
      %broadcast_in_dim3A_185 = vector.broadcast %jit3A_184 : i32 to vector<16xi32>
      %select_n3A_186 = arith.select %gt3A_173, %broadcast_in_dim3A_185, %select_n3A_167 : vector<16xi1>, vector<16xi32>
      %select_n3A_187 = arith.select %gt3A_173, %get3A_172, %select_n3A_168 : vector<16xi1>, vector<16xf32>
      %get3A_188 = arith.constant 9 : i32
      %get3A_189 = arith.index_cast %get3A_188 : i32 to index
      %get3A_190 = arith.index_cast %mul3A_14 : i32 to index
      %get3A_191 = tpu.vector_load %arg6[%get3A_189, %get3A_190] {strides = array<i32>} : memref<16x512xf32, #tpu.memory_space<vmem>>, vector<16xf32>,
      %gt3A_192 = arith.cmpf ogt, %get3A_191, %select_n3A_187 : vector<16xf32>
      %not3A_193 = arith.constant dense<true> : vector<16xi1>
      %not3A_194 = arith.xori %gt3A_192, %not3A_193 : vector<16xi1>
      %gt3A_195 = arith.cmpf ogt, %get3A_191, %select_n3A_183 : vector<16xf32>
      %and3A_196 = arith.andi %not3A_194, %gt3A_195 : vector<16xi1>
      %jit3A_197 = arith.constant 9 : i32
      %broadcast_in_dim3A_198 = vector.broadcast %jit3A_197 : i32 to vector<16xi32>
      %select_n3A_199 = arith.select %and3A_196, %broadcast_in_dim3A_198, %select_n3A_181 : vector<16xi1>, vector<16xi32>
      %select_n3A_200 = arith.select %gt3A_192, %select_n3A_186, %select_n3A_199 : vector<16xi1>, vector<16xi32>
      %select_n3A_201 = arith.select %and3A_196, %get3A_191, %select_n3A_183 : vector<16xi1>, vector<16xf32>
      %select_n3A_202 = arith.select %gt3A_192, %select_n3A_187, %select_n3A_201 : vector<16xi1>, vector<16xf32>
      %jit3A_203 = arith.constant 9 : i32
      %broadcast_in_dim3A_204 = vector.broadcast %jit3A_203 : i32 to vector<16xi32>
      %select_n3A_205 = arith.select %gt3A_192, %broadcast_in_dim3A_204, %select_n3A_186 : vector<16xi1>, vector<16xi32>
      %select_n3A_206 = arith.select %gt3A_192, %get3A_191, %select_n3A_187 : vector<16xi1>, vector<16xf32>
      %get3A_207 = arith.constant 10 : i32
      %get3A_208 = arith.index_cast %get3A_207 : i32 to index
      %get3A_209 = arith.index_cast %mul3A_14 : i32 to index
      %get3A_210 = tpu.vector_load %arg6[%get3A_208, %get3A_209] {strides = array<i32>} : memref<16x512xf32, #tpu.memory_space<vmem>>, vector<16xf32>,
      %gt3A_211 = arith.cmpf ogt, %get3A_210, %select_n3A_206 : vector<16xf32>
      %not3A_212 = arith.constant dense<true> : vector<16xi1>
      %not3A_213 = arith.xori %gt3A_211, %not3A_212 : vector<16xi1>
      %gt3A_214 = arith.cmpf ogt, %get3A_210, %select_n3A_202 : vector<16xf32>
      %and3A_215 = arith.andi %not3A_213, %gt3A_214 : vector<16xi1>
      %jit3A_216 = arith.constant 10 : i32
      %broadcast_in_dim3A_217 = vector.broadcast %jit3A_216 : i32 to vector<16xi32>
      %select_n3A_218 = arith.select %and3A_215, %broadcast_in_dim3A_217, %select_n3A_200 : vector<16xi1>, vector<16xi32>
      %select_n3A_219 = arith.select %gt3A_211, %select_n3A_205, %select_n3A_218 : vector<16xi1>, vector<16xi32>
      %select_n3A_220 = arith.select %and3A_215, %get3A_210, %select_n3A_202 : vector<16xi1>, vector<16xf32>
      %select_n3A_221 = arith.select %gt3A_211, %select_n3A_206, %select_n3A_220 : vector<16xi1>, vector<16xf32>
      %jit3A_222 = arith.constant 10 : i32
      %broadcast_in_dim3A_223 = vector.broadcast %jit3A_222 : i32 to vector<16xi32>
      %select_n3A_224 = arith.select %gt3A_211, %broadcast_in_dim3A_223, %select_n3A_205 : vector<16xi1>, vector<16xi32>
      %select_n3A_225 = arith.select %gt3A_211, %get3A_210, %select_n3A_206 : vector<16xi1>, vector<16xf32>
      %get3A_226 = arith.constant 11 : i32
      %get3A_227 = arith.index_cast %get3A_226 : i32 to index
      %get3A_228 = arith.index_cast %mul3A_14 : i32 to index
      %get3A_229 = tpu.vector_load %arg6[%get3A_227, %get3A_228] {strides = array<i32>} : memref<16x512xf32, #tpu.memory_space<vmem>>, vector<16xf32>,
      %gt3A_230 = arith.cmpf ogt, %get3A_229, %select_n3A_225 : vector<16xf32>
      %not3A_231 = arith.constant dense<true> : vector<16xi1>
      %not3A_232 = arith.xori %gt3A_230, %not3A_231 : vector<16xi1>
      %gt3A_233 = arith.cmpf ogt, %get3A_229, %select_n3A_221 : vector<16xf32>
      %and3A_234 = arith.andi %not3A_232, %gt3A_233 : vector<16xi1>
      %jit3A_235 = arith.constant 11 : i32
      %broadcast_in_dim3A_236 = vector.broadcast %jit3A_235 : i32 to vector<16xi32>
      %select_n3A_237 = arith.select %and3A_234, %broadcast_in_dim3A_236, %select_n3A_219 : vector<16xi1>, vector<16xi32>
      %select_n3A_238 = arith.select %gt3A_230, %select_n3A_224, %select_n3A_237 : vector<16xi1>, vector<16xi32>
      %select_n3A_239 = arith.select %and3A_234, %get3A_229, %select_n3A_221 : vector<16xi1>, vector<16xf32>
      %select_n3A_240 = arith.select %gt3A_230, %select_n3A_225, %select_n3A_239 : vector<16xi1>, vector<16xf32>
      %jit3A_241 = arith.constant 11 : i32
      %broadcast_in_dim3A_242 = vector.broadcast %jit3A_241 : i32 to vector<16xi32>
      %select_n3A_243 = arith.select %gt3A_230, %broadcast_in_dim3A_242, %select_n3A_224 : vector<16xi1>, vector<16xi32>
      %select_n3A_244 = arith.select %gt3A_230, %get3A_229, %select_n3A_225 : vector<16xi1>, vector<16xf32>
      %get3A_245 = arith.constant 12 : i32
      %get3A_246 = arith.index_cast %get3A_245 : i32 to index
      %get3A_247 = arith.index_cast %mul3A_14 : i32 to index
      %get3A_248 = tpu.vector_load %arg6[%get3A_246, %get3A_247] {strides = array<i32>} : memref<16x512xf32, #tpu.memory_space<vmem>>, vector<16xf32>,
      %gt3A_249 = arith.cmpf ogt, %get3A_248, %select_n3A_244 : vector<16xf32>
      %not3A_250 = arith.constant dense<true> : vector<16xi1>
      %not3A_251 = arith.xori %gt3A_249, %not3A_250 : vector<16xi1>
      %gt3A_252 = arith.cmpf ogt, %get3A_248, %select_n3A_240 : vector<16xf32>
      %and3A_253 = arith.andi %not3A_251, %gt3A_252 : vector<16xi1>
      %jit3A_254 = arith.constant 12 : i32
      %broadcast_in_dim3A_255 = vector.broadcast %jit3A_254 : i32 to vector<16xi32>
      %select_n3A_256 = arith.select %and3A_253, %broadcast_in_dim3A_255, %select_n3A_238 : vector<16xi1>, vector<16xi32>
      %select_n3A_257 = arith.select %gt3A_249, %select_n3A_243, %select_n3A_256 : vector<16xi1>, vector<16xi32>
      %select_n3A_258 = arith.select %and3A_253, %get3A_248, %select_n3A_240 : vector<16xi1>, vector<16xf32>
      %select_n3A_259 = arith.select %gt3A_249, %select_n3A_244, %select_n3A_258 : vector<16xi1>, vector<16xf32>
      %jit3A_260 = arith.constant 12 : i32
      %broadcast_in_dim3A_261 = vector.broadcast %jit3A_260 : i32 to vector<16xi32>
      %select_n3A_262 = arith.select %gt3A_249, %broadcast_in_dim3A_261, %select_n3A_243 : vector<16xi1>, vector<16xi32>
      %select_n3A_263 = arith.select %gt3A_249, %get3A_248, %select_n3A_244 : vector<16xi1>, vector<16xf32>
      %get3A_264 = arith.constant 13 : i32
      %get3A_265 = arith.index_cast %get3A_264 : i32 to index
      %get3A_266 = arith.index_cast %mul3A_14 : i32 to index
      %get3A_267 = tpu.vector_load %arg6[%get3A_265, %get3A_266] {strides = array<i32>} : memref<16x512xf32, #tpu.memory_space<vmem>>, vector<16xf32>,
      %gt3A_268 = arith.cmpf ogt, %get3A_267, %select_n3A_263 : vector<16xf32>
      %not3A_269 = arith.constant dense<true> : vector<16xi1>
      %not3A_270 = arith.xori %gt3A_268, %not3A_269 : vector<16xi1>
      %gt3A_271 = arith.cmpf ogt, %get3A_267, %select_n3A_259 : vector<16xf32>
      %and3A_272 = arith.andi %not3A_270, %gt3A_271 : vector<16xi1>
      %jit3A_273 = arith.constant 13 : i32
      %broadcast_in_dim3A_274 = vector.broadcast %jit3A_273 : i32 to vector<16xi32>
      %select_n3A_275 = arith.select %and3A_272, %broadcast_in_dim3A_274, %select_n3A_257 : vector<16xi1>, vector<16xi32>
      %select_n3A_276 = arith.select %gt3A_268, %select_n3A_262, %select_n3A_275 : vector<16xi1>, vector<16xi32>
      %select_n3A_277 = arith.select %and3A_272, %get3A_267, %select_n3A_259 : vector<16xi1>, vector<16xf32>
      %select_n3A_278 = arith.select %gt3A_268, %select_n3A_263, %select_n3A_277 : vector<16xi1>, vector<16xf32>
      %jit3A_279 = arith.constant 13 : i32
      %broadcast_in_dim3A_280 = vector.broadcast %jit3A_279 : i32 to vector<16xi32>
      %select_n3A_281 = arith.select %gt3A_268, %broadcast_in_dim3A_280, %select_n3A_262 : vector<16xi1>, vector<16xi32>
      %select_n3A_282 = arith.select %gt3A_268, %get3A_267, %select_n3A_263 : vector<16xi1>, vector<16xf32>
      %get3A_283 = arith.constant 14 : i32
      %get3A_284 = arith.index_cast %get3A_283 : i32 to index
      %get3A_285 = arith.index_cast %mul3A_14 : i32 to index
      %get3A_286 = tpu.vector_load %arg6[%get3A_284, %get3A_285] {strides = array<i32>} : memref<16x512xf32, #tpu.memory_space<vmem>>, vector<16xf32>,
      %gt3A_287 = arith.cmpf ogt, %get3A_286, %select_n3A_282 : vector<16xf32>
      %not3A_288 = arith.constant dense<true> : vector<16xi1>
      %not3A_289 = arith.xori %gt3A_287, %not3A_288 : vector<16xi1>
      %gt3A_290 = arith.cmpf ogt, %get3A_286, %select_n3A_278 : vector<16xf32>
      %and3A_291 = arith.andi %not3A_289, %gt3A_290 : vector<16xi1>
      %jit3A_292 = arith.constant 14 : i32
      %broadcast_in_dim3A_293 = vector.broadcast %jit3A_292 : i32 to vector<16xi32>
      %select_n3A_294 = arith.select %and3A_291, %broadcast_in_dim3A_293, %select_n3A_276 : vector<16xi1>, vector<16xi32>
      %select_n3A_295 = arith.select %gt3A_287, %select_n3A_281, %select_n3A_294 : vector<16xi1>, vector<16xi32>
      %select_n3A_296 = arith.select %and3A_291, %get3A_286, %select_n3A_278 : vector<16xi1>, vector<16xf32>
      %select_n3A_297 = arith.select %gt3A_287, %select_n3A_282, %select_n3A_296 : vector<16xi1>, vector<16xf32>
      %jit3A_298 = arith.constant 14 : i32
      %broadcast_in_dim3A_299 = vector.broadcast %jit3A_298 : i32 to vector<16xi32>
      %select_n3A_300 = arith.select %gt3A_287, %broadcast_in_dim3A_299, %select_n3A_281 : vector<16xi1>, vector<16xi32>
      %select_n3A_301 = arith.select %gt3A_287, %get3A_286, %select_n3A_282 : vector<16xi1>, vector<16xf32>
      %get3A_302 = arith.constant 15 : i32
      %get3A_303 = arith.index_cast %get3A_302 : i32 to index
      %get3A_304 = arith.index_cast %mul3A_14 : i32 to index
      %get3A_305 = tpu.vector_load %arg6[%get3A_303, %get3A_304] {strides = array<i32>} : memref<16x512xf32, #tpu.memory_space<vmem>>, vector<16xf32>,
      %gt3A_306 = arith.cmpf ogt, %get3A_305, %select_n3A_301 : vector<16xf32>
      %not3A_307 = arith.constant dense<true> : vector<16xi1>
      %not3A_308 = arith.xori %gt3A_306, %not3A_307 : vector<16xi1>
      %gt3A_309 = arith.cmpf ogt, %get3A_305, %select_n3A_297 : vector<16xf32>
      %and3A_310 = arith.andi %not3A_308, %gt3A_309 : vector<16xi1>
      %jit3A_311 = arith.constant 15 : i32
      %broadcast_in_dim3A_312 = vector.broadcast %jit3A_311 : i32 to vector<16xi32>
      %select_n3A_313 = arith.select %and3A_310, %broadcast_in_dim3A_312, %select_n3A_295 : vector<16xi1>, vector<16xi32>
      %select_n3A_314 = arith.select %gt3A_306, %select_n3A_300, %select_n3A_313 : vector<16xi1>, vector<16xi32>
      %select_n3A_315 = arith.select %and3A_310, %get3A_305, %select_n3A_297 : vector<16xi1>, vector<16xf32>
      %select_n3A_316 = arith.select %gt3A_306, %select_n3A_301, %select_n3A_315 : vector<16xi1>, vector<16xf32>
      %jit3A_317 = arith.constant 15 : i32
      %broadcast_in_dim3A_318 = vector.broadcast %jit3A_317 : i32 to vector<16xi32>
      %select_n3A_319 = arith.select %gt3A_306, %broadcast_in_dim3A_318, %select_n3A_300 : vector<16xi1>, vector<16xi32>
      %select_n3A_320 = arith.select %gt3A_306, %get3A_305, %select_n3A_301 : vector<16xi1>, vector<16xf32>
      %swap3A_321 = arith.constant 0 : i32
      %swap3A_322 = arith.index_cast %swap3A_321 : i32 to index
      %swap3A_323 = arith.index_cast %mul3A_14 : i32 to index
      %swap3A_324 = tpu.vector_load %arg7[%swap3A_322, %swap3A_323] {strides = array<i32>} : memref<2x512xi32, #tpu.memory_space<vmem>>, vector<16xi32>,
      tpu.vector_store %arg7[%swap3A_322, %swap3A_323], %select_n3A_319 {strides = array<i32>} : memref<2x512xi32, #tpu.memory_space<vmem>>, vector<16xi32>,
      %swap3A_325 = arith.constant 1 : i32
      %swap3A_326 = arith.index_cast %swap3A_325 : i32 to index
      %swap3A_327 = arith.index_cast %mul3A_14 : i32 to index
      %swap3A_328 = tpu.vector_load %arg7[%swap3A_326, %swap3A_327] {strides = array<i32>} : memref<2x512xi32, #tpu.memory_space<vmem>>, vector<16xi32>,
      tpu.vector_store %arg7[%swap3A_326, %swap3A_327], %select_n3A_314 {strides = array<i32>} : memref<2x512xi32, #tpu.memory_space<vmem>>, vector<16xi32>,
      %swap3A_329 = arith.constant 0 : i32
      %swap3A_330 = arith.index_cast %swap3A_329 : i32 to index
      %swap3A_331 = arith.index_cast %mul3A_14 : i32 to index
      %swap3A_332 = tpu.vector_load %arg8[%swap3A_330, %swap3A_331] {strides = array<i32>} : memref<2x512xf32, #tpu.memory_space<vmem>>, vector<16xf32>,
      tpu.vector_store %arg8[%swap3A_330, %swap3A_331], %select_n3A_320 {strides = array<i32>} : memref<2x512xf32, #tpu.memory_space<vmem>>, vector<16xf32>,
      %swap3A_333 = arith.constant 1 : i32
      %swap3A_334 = arith.index_cast %swap3A_333 : i32 to index
      %swap3A_335 = arith.index_cast %mul3A_14 : i32 to index
      %swap3A_336 = tpu.vector_load %arg8[%swap3A_334, %swap3A_335] {strides = array<i32>} : memref<2x512xf32, #tpu.memory_space<vmem>>, vector<16xf32>,
      tpu.vector_store %arg8[%swap3A_334, %swap3A_335], %select_n3A_316 {strides = array<i32>} : memref<2x512xf32, #tpu.memory_space<vmem>>, vector<16xf32>,
      tpu.vector_store_idx %arg9[%select_n3A_319], %broadcast_in_dim3A_6 {add = true} : memref<16xf32, #tpu.memory_space<vmem>>[vector<16xi32>], vector<16xf32>,
    }
    %scan3A_11 = arith.constant 32 : i32
    "tpu.region"() ({
      %run_scoped3A = tpu.sem_alloc : memref<!tpu.dma_semaphore, #tpu.memory_space<semaphore_mem>>
      %dma_start3A = arith.constant 0 : i32
      %dma_start3A_12 = tpu.memref_slice %arg3[%dma_start3A, %mul3A_2] : memref<2x16384xi32, #tpu.memory_space<hbm>> -> memref<2x512xi32, #tpu.memory_space<hbm>>
      %dma_start3A_13 = arith.constant 0 : i32
      %dma_start3A_14 = tpu.memref_slice %arg3[%dma_start3A_13, %mul3A_2] : memref<2x16384xi32, #tpu.memory_space<hbm>> -> memref<2x512xi32, #tpu.memory_space<hbm>>
      tpu.enqueue_dma source(%arg7 : memref<2x512xi32, #tpu.memory_space<vmem>>) target(%dma_start3A_14 : memref<2x512xi32, #tpu.memory_space<hbm>>) target_semaphore(%run_scoped3A : memref<!tpu.dma_semaphore, #tpu.memory_space<semaphore_mem>>)
      %dma_wait3A = arith.constant 0 : i32
      %dma_wait3A_15 = tpu.memref_slice %arg3[%dma_wait3A, %mul3A_2] : memref<2x16384xi32, #tpu.memory_space<hbm>> -> memref<2x512xi32, #tpu.memory_space<hbm>>
      %dma_wait3A_16 = arith.constant 0 : i32
      %dma_wait3A_17 = tpu.memref_slice %arg3[%dma_wait3A_16, %mul3A_2] : memref<2x16384xi32, #tpu.memory_space<hbm>> -> memref<2x512xi32, #tpu.memory_space<hbm>>
      tpu.wait_dma2 semaphore(%run_scoped3A : memref<!tpu.dma_semaphore, #tpu.memory_space<semaphore_mem>>) src(%arg7 : memref<2x512xi32, #tpu.memory_space<vmem>>) dst(%dma_wait3A_17 : memref<2x512xi32, #tpu.memory_space<hbm>>)
      tpu.yield
    }) : () -> ()
    "tpu.region"() ({
      %run_scoped3A = tpu.sem_alloc : memref<!tpu.dma_semaphore, #tpu.memory_space<semaphore_mem>>
      %dma_start3A = arith.constant 0 : i32
      %dma_start3A_12 = tpu.memref_slice %arg4[%dma_start3A, %mul3A_2] : memref<2x16384xf32, #tpu.memory_space<hbm>> -> memref<2x512xf32, #tpu.memory_space<hbm>>
      %dma_start3A_13 = arith.constant 0 : i32
      %dma_start3A_14 = tpu.memref_slice %arg4[%dma_start3A_13, %mul3A_2] : memref<2x16384xf32, #tpu.memory_space<hbm>> -> memref<2x512xf32, #tpu.memory_space<hbm>>
      tpu.enqueue_dma source(%arg8 : memref<2x512xf32, #tpu.memory_space<vmem>>) target(%dma_start3A_14 : memref<2x512xf32, #tpu.memory_space<hbm>>) target_semaphore(%run_scoped3A : memref<!tpu.dma_semaphore, #tpu.memory_space<semaphore_mem>>)
      %dma_wait3A = arith.constant 0 : i32
      %dma_wait3A_15 = tpu.memref_slice %arg4[%dma_wait3A, %mul3A_2] : memref<2x16384xf32, #tpu.memory_space<hbm>> -> memref<2x512xf32, #tpu.memory_space<hbm>>
      %dma_wait3A_16 = arith.constant 0 : i32
      %dma_wait3A_17 = tpu.memref_slice %arg4[%dma_wait3A_16, %mul3A_2] : memref<2x16384xf32, #tpu.memory_space<hbm>> -> memref<2x512xf32, #tpu.memory_space<hbm>>
      tpu.wait_dma2 semaphore(%run_scoped3A : memref<!tpu.dma_semaphore, #tpu.memory_space<semaphore_mem>>) src(%arg8 : memref<2x512xf32, #tpu.memory_space<vmem>>) dst(%dma_wait3A_17 : memref<2x512xf32, #tpu.memory_space<hbm>>)
      tpu.yield
    }) : () -> ()
    "tpu.region"() ({
      %run_scoped3A = tpu.sem_alloc : memref<!tpu.dma_semaphore, #tpu.memory_space<semaphore_mem>>
      %dma_start3A = arith.constant 0 : i32
      %dma_start3A_12 = tpu.memref_slice %arg5[%add3A, %dma_start3A] : memref<32x16xf32, #tpu.memory_space<hbm>> -> memref<1x16xf32, #tpu.memory_space<hbm>>
      %dma_start3A_13 = tpu.memref_squeeze %dma_start3A_12 : memref<1x16xf32, #tpu.memory_space<hbm>> -> memref<16xf32, #tpu.memory_space<hbm>>
      %dma_start3A_14 = arith.constant 0 : i32
      %dma_start3A_15 = tpu.memref_slice %arg5[%add3A, %dma_start3A_14] : memref<32x16xf32, #tpu.memory_space<hbm>> -> memref<1x16xf32, #tpu.memory_space<hbm>>
      %dma_start3A_16 = tpu.memref_squeeze %dma_start3A_15 : memref<1x16xf32, #tpu.memory_space<hbm>> -> memref<16xf32, #tpu.memory_space<hbm>>
      tpu.enqueue_dma source(%arg9 : memref<16xf32, #tpu.memory_space<vmem>>) target(%dma_start3A_16 : memref<16xf32, #tpu.memory_space<hbm>>) target_semaphore(%run_scoped3A : memref<!tpu.dma_semaphore, #tpu.memory_space<semaphore_mem>>)
      %dma_wait3A = arith.constant 0 : i32
      %dma_wait3A_17 = tpu.memref_slice %arg5[%add3A, %dma_wait3A] : memref<32x16xf32, #tpu.memory_space<hbm>> -> memref<1x16xf32, #tpu.memory_space<hbm>>
      %dma_wait3A_18 = tpu.memref_squeeze %dma_wait3A_17 : memref<1x16xf32, #tpu.memory_space<hbm>> -> memref<16xf32, #tpu.memory_space<hbm>>
      %dma_wait3A_19 = arith.constant 0 : i32
      %dma_wait3A_20 = tpu.memref_slice %arg5[%add3A, %dma_wait3A_19] : memref<32x16xf32, #tpu.memory_space<hbm>> -> memref<1x16xf32, #tpu.memory_space<hbm>>
      %dma_wait3A_21 = tpu.memref_squeeze %dma_wait3A_20 : memref<1x16xf32, #tpu.memory_space<hbm>> -> memref<16xf32, #tpu.memory_space<hbm>>
      tpu.wait_dma2 semaphore(%run_scoped3A : memref<!tpu.dma_semaphore, #tpu.memory_space<semaphore_mem>>) src(%arg9 : memref<16xf32, #tpu.memory_space<vmem>>) dst(%dma_wait3A_21 : memref<16xf32, #tpu.memory_space<hbm>>)
      tpu.yield
    }) : () -> ()
    return
  }
}

module attributes {stable_mosaic.version = 14 : i64} {
  func.func @_gate_tc_body(%arg0: i32, %arg1: memref<2048x2048xf32, #tpu.memory_space<vmem>>, %arg2: memref<2048x16xf32, #tpu.memory_space<vmem>>, %arg3: memref<1x16xf32, #tpu.memory_space<vmem>>, %arg4: memref<16x2048xf32, #tpu.memory_space<vmem>>, %arg5: memref<1x16xf32, #tpu.memory_space<vmem>>, %arg6: memref<1x16xf32, #tpu.memory_space<vmem>>) attributes {dimension_semantics = [#tpu.dimension_semantics<arbitrary>], iteration_bounds = array<i64: 8>, scalar_prefetch = 0 : i64, scratch_operands = 1 : i64, tpu.core_type = #tpu.core_type<tc>, window_params = [{transform_indices = @transform_0, window_bounds = array<i64: 2048, 2048>}, {pipeline_mode = #tpu.pipeline_mode<synchronous>, transform_indices = @transform_1, window_bounds = array<i64: 2048, 16>}, {pipeline_mode = #tpu.pipeline_mode<synchronous>, transform_indices = @transform_2, window_bounds = array<i64: 1, 16>}, {transform_indices = @transform_3, window_bounds = array<i64: 16, 2048>}, {pipeline_mode = #tpu.pipeline_mode<synchronous>, transform_indices = @transform_4, window_bounds = array<i64: 1, 16>}]} {
    %get3A = arith.constant 0 : index
    %get3A_0 = arith.constant 0 : index
    %get3A_1 = vector.load %arg1[%get3A, %get3A_0] : memref<2048x2048xf32, #tpu.memory_space<vmem>>, vector<2048x2048xf32>
    %get3A_2 = arith.constant 0 : index
    %get3A_3 = arith.constant 0 : index
    %get3A_4 = vector.load %arg2[%get3A_2, %get3A_3] : memref<2048x16xf32, #tpu.memory_space<vmem>>, vector<2048x16xf32>
    %dot_general3A = arith.constant dense<0.000000e+00> : vector<2048x16xf32>
    %dot_general3A_5 = tpu.matmul %get3A_1, %get3A_4, %dot_general3A {dimension_numbers = #tpu.dot_dimension_numbers<[1], [0], [0], [1], [0, 0, 1, 1], [], []>, transpose_lhs_hint = false} : vector<2048x2048xf32>, vector<2048x16xf32>, vector<2048x16xf32> -> vector<2048x16xf32>
    %get3A_6 = arith.constant 0 : index
    %get3A_7 = arith.constant 0 : index
    %get3A_8 = vector.load %arg3[%get3A_6, %get3A_7] : memref<1x16xf32, #tpu.memory_space<vmem>>, vector<1x16xf32>
    %add3A = vector.broadcast %get3A_8 : vector<1x16xf32> to vector<2048x16xf32>
    %add3A_9 = arith.addf %dot_general3A_5, %add3A : vector<2048x16xf32>
    %reduce_max3A = arith.constant dense<0xFF800000> : vector<2048xf32>
    %reduce_max3A_10 = vector.multi_reduction <maximumf>, %add3A_9, %reduce_max3A [1] : vector<2048x16xf32> to vector<2048xf32>
    %broadcast_in_dim3A = vector.shape_cast %reduce_max3A_10 : vector<2048xf32> to vector<2048x1xf32>
    %sub3A = vector.broadcast %broadcast_in_dim3A : vector<2048x1xf32> to vector<2048x16xf32>
    %sub3A_11 = arith.subf %add3A_9, %sub3A : vector<2048x16xf32>
    %exp3A = math.exp %sub3A_11 : vector<2048x16xf32>
    %reduce_sum3A = arith.constant dense<0.000000e+00> : vector<2048xf32>
    %reduce_sum3A_12 = vector.multi_reduction <add>, %exp3A, %reduce_sum3A [1] : vector<2048x16xf32> to vector<2048xf32>
    %broadcast_in_dim3A_13 = vector.shape_cast %reduce_sum3A_12 : vector<2048xf32> to vector<2048x1xf32>
    %div3A = vector.broadcast %broadcast_in_dim3A_13 : vector<2048x1xf32> to vector<2048x16xf32>
    %div3A_14 = arith.divf %exp3A, %div3A : vector<2048x16xf32>
    %transpose3A = tpu.transpose %div3A_14, [1, 0] : vector<2048x16xf32> -> vector<16x2048xf32>
    %swap3A = arith.constant 0 : index
    %swap3A_15 = arith.constant 0 : index
    %swap3A_16 = vector.load %arg4[%swap3A, %swap3A_15] : memref<16x2048xf32, #tpu.memory_space<vmem>>, vector<16x2048xf32>
    tpu.vector_store %arg4[%swap3A, %swap3A_15], %transpose3A {strides = array<i32>} : memref<16x2048xf32, #tpu.memory_space<vmem>>, vector<16x2048xf32>,
    %reduce_sum3A_17 = arith.constant dense<0.000000e+00> : vector<16xf32>
    %reduce_sum3A_18 = vector.multi_reduction <add>, %div3A_14, %reduce_sum3A_17 [0] : vector<2048x16xf32> to vector<16xf32>
    %broadcast_in_dim3A_19 = vector.shape_cast %reduce_sum3A_18 : vector<16xf32> to vector<1x16xf32>
    %eq3A = arith.constant 0 : i32
    %eq3A_20 = arith.cmpi eq, %arg0, %eq3A : i32
    %convert_element_type3A = arith.extui %eq3A_20 : i1 to i32
    %cond3A = arith.constant 0 : i32
    %cond3A_21 = arith.cmpi ne, %convert_element_type3A, %cond3A : i32
    scf.if %cond3A_21 {
      %swap3A_31 = arith.constant 0 : index
      %swap3A_32 = arith.constant 0 : index
      %swap3A_33 = vector.load %arg6[%swap3A_31, %swap3A_32] : memref<1x16xf32, #tpu.memory_space<vmem>>, vector<1x16xf32>
      tpu.vector_store %arg6[%swap3A_31, %swap3A_32], %broadcast_in_dim3A_19 {strides = array<i32>} : memref<1x16xf32, #tpu.memory_space<vmem>>, vector<1x16xf32>,
    } else {
    }
    %ne3A = arith.constant 0 : i32
    %ne3A_22 = arith.cmpi ne, %arg0, %ne3A : i32
    %convert_element_type3A_23 = arith.extui %ne3A_22 : i1 to i32
    %cond3A_24 = arith.constant 0 : i32
    %cond3A_25 = arith.cmpi ne, %convert_element_type3A_23, %cond3A_24 : i32
    scf.if %cond3A_25 {
      %get3A_31 = arith.constant 0 : index
      %get3A_32 = arith.constant 0 : index
      %get3A_33 = vector.load %arg6[%get3A_31, %get3A_32] : memref<1x16xf32, #tpu.memory_space<vmem>>, vector<1x16xf32>
      %add3A_34 = arith.addf %get3A_33, %broadcast_in_dim3A_19 : vector<1x16xf32>
      %swap3A_35 = arith.constant 0 : index
      %swap3A_36 = arith.constant 0 : index
      %swap3A_37 = vector.load %arg6[%swap3A_35, %swap3A_36] : memref<1x16xf32, #tpu.memory_space<vmem>>, vector<1x16xf32>
      tpu.vector_store %arg6[%swap3A_35, %swap3A_36], %add3A_34 {strides = array<i32>} : memref<1x16xf32, #tpu.memory_space<vmem>>, vector<1x16xf32>,
    } else {
    }
    %eq3A_26 = arith.constant 7 : i32
    %eq3A_27 = arith.cmpi eq, %arg0, %eq3A_26 : i32
    %convert_element_type3A_28 = arith.extui %eq3A_27 : i1 to i32
    %cond3A_29 = arith.constant 0 : i32
    %cond3A_30 = arith.cmpi ne, %convert_element_type3A_28, %cond3A_29 : i32
    scf.if %cond3A_30 {
      %get3A_31 = arith.constant 0 : index
      %get3A_32 = arith.constant 0 : index
      %get3A_33 = vector.load %arg6[%get3A_31, %get3A_32] : memref<1x16xf32, #tpu.memory_space<vmem>>, vector<1x16xf32>
      %swap3A_34 = arith.constant 0 : index
      %swap3A_35 = arith.constant 0 : index
      %swap3A_36 = vector.load %arg5[%swap3A_34, %swap3A_35] : memref<1x16xf32, #tpu.memory_space<vmem>>, vector<1x16xf32>
      tpu.vector_store %arg5[%swap3A_34, %swap3A_35], %get3A_33 {strides = array<i32>} : memref<1x16xf32, #tpu.memory_space<vmem>>, vector<1x16xf32>,
    } else {
    }
    return
  }
  func.func @transform_0(%arg0: i32) -> (i32, i32) {
    %c0_i32 = arith.constant 0 : i32
    %c0_i32_0 = arith.constant 0 : i32
    return %arg0, %c0_i32 : i32, i32
  }
  func.func @transform_1(%arg0: i32) -> (i32, i32) {
    %c0_i32 = arith.constant 0 : i32
    %c0_i32_0 = arith.constant 0 : i32
    %c0_i32_1 = arith.constant 0 : i32
    return %c0_i32, %c0_i32_0 : i32, i32
  }
  func.func @transform_2(%arg0: i32) -> (i32, i32) {
    %c0_i32 = arith.constant 0 : i32
    %c0_i32_0 = arith.constant 0 : i32
    %c0_i32_1 = arith.constant 0 : i32
    return %c0_i32, %c0_i32_0 : i32, i32
  }
  func.func @transform_3(%arg0: i32) -> (i32, i32) {
    %c0_i32 = arith.constant 0 : i32
    %c0_i32_0 = arith.constant 0 : i32
    return %c0_i32, %arg0 : i32, i32
  }
  func.func @transform_4(%arg0: i32) -> (i32, i32) {
    %c0_i32 = arith.constant 0 : i32
    %c0_i32_0 = arith.constant 0 : i32
    %c0_i32_1 = arith.constant 0 : i32
    return %c0_i32, %c0_i32_0 : i32, i32
  }
}

module attributes {stable_mosaic.version = 14 : i64} {
  func.func @_aux_body(%arg0: memref<32x16xf32, #tpu.memory_space<vmem>>, %arg1: memref<1x16xf32, #tpu.memory_space<vmem>>, %arg2: memref<1x1xf32, #tpu.memory_space<vmem>>) attributes {dimension_semantics = [], scalar_prefetch = 0 : i64, scratch_operands = 0 : i64, tpu.core_type = #tpu.core_type<tc>} {
    %get3A = arith.constant 0 : index
    %get3A_0 = arith.constant 0 : index
    %get3A_1 = vector.load %arg0[%get3A, %get3A_0] : memref<32x16xf32, #tpu.memory_space<vmem>>, vector<32x16xf32>
    %reduce_sum3A = arith.constant dense<0.000000e+00> : vector<16xf32>
    %reduce_sum3A_2 = vector.multi_reduction <add>, %get3A_1, %reduce_sum3A [0] : vector<32x16xf32> to vector<16xf32>
    %broadcast_in_dim3A = vector.shape_cast %reduce_sum3A_2 : vector<16xf32> to vector<1x16xf32>
    %get3A_3 = arith.constant 0 : index
    %get3A_4 = arith.constant 0 : index
    %get3A_5 = vector.load %arg1[%get3A_3, %get3A_4] : memref<1x16xf32, #tpu.memory_space<vmem>>, vector<1x16xf32>
    %mul3A = arith.mulf %broadcast_in_dim3A, %get3A_5 : vector<1x16xf32>
    %reduce_sum3A_6 = arith.constant dense<0.000000e+00> : vector<1xf32>
    %reduce_sum3A_7 = vector.multi_reduction <add>, %mul3A, %reduce_sum3A_6 [1] : vector<1x16xf32> to vector<1xf32>
    %broadcast_in_dim3A_8 = vector.shape_cast %reduce_sum3A_7 : vector<1xf32> to vector<1x1xf32>
    %mul3A_9 = arith.constant 1.600000e+01 : f32
    %mul3A_10 = vector.broadcast %mul3A_9 : f32 to vector<1x1xf32>
    %mul3A_11 = arith.mulf %broadcast_in_dim3A_8, %mul3A_10 : vector<1x1xf32>
    %div3A = arith.constant 1.638400e+04 : f32
    %div3A_12 = vector.broadcast %div3A : f32 to vector<1x1xf32>
    %div3A_13 = arith.divf %mul3A_11, %div3A_12 : vector<1x1xf32>
    %div3A_14 = arith.constant 1.638400e+04 : f32
    %div3A_15 = vector.broadcast %div3A_14 : f32 to vector<1x1xf32>
    %div3A_16 = arith.divf %div3A_13, %div3A_15 : vector<1x1xf32>
    %swap3A = arith.constant 0 : index
    %swap3A_17 = arith.constant 0 : index
    %swap3A_18 = vector.load %arg2[%swap3A, %swap3A_17] : memref<1x1xf32, #tpu.memory_space<vmem>>, vector<1x1xf32>
    tpu.vector_store %arg2[%swap3A, %swap3A_17], %div3A_16 {strides = array<i32>} : memref<1x1xf32, #tpu.memory_space<vmem>>, vector<1x1xf32>,
    return
  }
}

</mosaic_0001>

<sc_bundles>
// kernel: kernel.5.cloned.1.call-start
scs
__scs_entry_jumppad:
0x0: {  	(pc) =	sbr.rel $0x88, $3  }
0x1: {  	(tag) =	ssettag $0x0;
	lr =	simm.s32 $0x1  }
0x2: {  	[smem:$0x3F9E] =	sst lr;
	_ =	strace $0xD0000000  }
0x3: {  	_ = 	snop  }
0x4: {  	_ = 	snop  }
0x5: {  	_ = 	snop  }
0x6: {  	_ = 	snop  }
0x7: {  	_ = 	snop  }
__scs_overlays_trampoline_lowered:
0x8: {  	[smem:$0x3FAD] =	sst s0  }
0x9: {  	[smem:$0x3FAE] =	sst s1  }
0xa: {  	[smem:$0x3FAF] =	sst s2  }
0xb: {  	[smem:$0x3FB0] =	sst s3  }
0xc: {  	[smem:$0x3FB1] =	sst s4  }
0xd: {  	[smem:$0x3FB2] =	sst s5  }
0xe: {  	[smem:$0x3FB3] =	sst s6  }
0xf: {  	[smem:$0x3FB4] =	sst s7  }
0x10: {  	[smem:$0x3FB5] =	sst s8  }
0x11: {  	[smem:$0x3FB6] =	sst s9;
	s0 =	simm.s32 @!p0 $0x0  }
0x12: {  	s1 =	sld [smem:$0x3F9C];
	s0 =	simm.s32 @p0 $0x1  }
0x13: {  	[smem:$0x3FB7] =	sst s0;
	s0 =	simm.s32 @!p1 $0x0  }
0x14: {  	s2 =	sld [smem:$0x3F9B];
	s0 =	simm.s32 @p1 $0x1  }
0x15: {  	[smem:$0x3FB8] =	sst s0;
	s0 =	simm.s32 @!p2 $0x0  }
0x16: {  	s3 =	sld [smem:$0x3FDB];
	s0 =	simm.s32 @p2 $0x1  }
0x17: {  	s4 =	simm.s32 $0x1BF5;
	[smem:$0x3FBA] =	sst s0  }
0x18: {  	s0 =	sld [smem:$0x3F9D];
	_ =	swait.ge [sflag:s4], $0x0  }
0x19: {  	s7 =	sld [smem:$0x3F9E]  }
0x1a: {  	s8 =	sadd.s32 $0xFFFFE003, lr  }
0x1b: {  	s9 =	sadd.s32 $0xFFFFFEF7, lr;
	s5 =	simm.s32 $0xFFFFFFFF;
	p2 =	slt.u32 s8, $0xFFFFF086  }
0x1c: {  	p1 =	slt.u32 s9, $0xF7A;
	s5 =	simm.s32 @!p2 $0x0  }
0x1d: {  	s5 =	simm.s32 @p1 $0x1;
	p0 =	seq.s32 s7, s2  }
0x1e: {  	s7 =	smul.u32 @!p0 $0xF7A, s2;
	p2 =	seq.s32 @!p0 s5, $0x0  }
0x1f: {  	s9 =	smul.u32 $0xF7A, s1;
	s8 =	simm.s32 @!p0 $0x1BF5;
	p2 =	por !p2, p0  }
0x20: {  	[sflag:s8] =	ssyncset.s32 @!p0 $0xFFFFF086;
	s6 =	sadd.s32 @!p0 s3, s7;
	s7 =	simm.s32 @!p0 $0x108  }
0x21: {  	s3 =	sadd.s32 s3, s9;
	s6 =	sadd.s32 @!p0 $0x88, s6;
	s7 =	simm.s32 @p2 $0x1082  }
0x22: {  	[simem:s7], [sflag:s8] =	dma.local @!p0 [hbm:s6], $0xF7A  }
0x23: {  	s9 =	sor.u32 $0xD0000000, s2;
	s6 =	simm.s32 $0x108;
	_ =	swait.ge @!p0 [sflag:s8], $0x0  }
0x24: {  	s3 =	sadd.s32 $0x88, s3;
	s6 =	simm.s32 @!p1 $0x1082;
	[sflag:s4] =	ssyncset.s32 $0xFFFFF086  }
0x25: {  	[simem:s6], [sflag:s4] =	dma.local [hbm:s3], $0xF7A  }
0x26: {  	[smem:$0x3F9E] =	sst s1;
	(tag) =	ssettag s2;
	_ =	strace s9  }
0x27: {  	s1 =	sld [smem:$0x3FAE]  }
0x28: {  	s2 =	sld [smem:$0x3FAF]  }
0x29: {  	s4 =	sld [smem:$0x3FB1]  }
0x2a: {  	p0 =	seq.s32 s5, $0x0;
	s5 =	sld [smem:$0x3FB2]  }
0x2b: {  	s6 =	sld [smem:$0x3FB3]  }
0x2c: {  	s7 =	sld [smem:$0x3FB4]  }
0x2d: {  	s3 =	simm.s32 $0x108;
	s8 =	sld [smem:$0x3FB5]  }
0x2e: {  	s3 =	simm.s32 @!p0 $0x1082;
	s9 =	sld [smem:$0x3FB6]  }
0x2f: {  	lr =	sadd.s32 s0, s3;
	s0 =	sld [smem:$0x3FAD]  }
0x30: {  	s3 =	sld [smem:$0x3FB0]  }
0x31: {  	[smem:$0x3FB9] =	sst s10  }
0x32: {  	s10 =	sld [smem:$0x3FB7];
	_ =	sdelay $0x3  }
0x33: {  	p0 =	seq.s32 s10, $0x1;
	s10 =	sld [smem:$0x3FB9];
	_ =	sdelay $0x3  }
0x34: {  	[smem:$0x3FB9] =	sst s10  }
0x35: {  	s10 =	sld [smem:$0x3FB8];
	_ =	sdelay $0x3  }
0x36: {  	p1 =	seq.s32 s10, $0x1;
	s10 =	sld [smem:$0x3FB9];
	_ =	sdelay $0x3  }
0x37: {  	[smem:$0x3FB9] =	sst s10  }
0x38: {  	s10 =	sld [smem:$0x3FBA]  }
0x39: {  	_ = 	snop;
	(pc) =	sbr.ind lr, $3  }
0x3a: {  	_ = 	snop  }
0x3b: {  	_ = 	snop  }
0x3c: {  	p2 =	seq.s32 s10, $0x1;
	s10 =	sld [smem:$0x3FB9]  }
0x3d: {  	_ =	shalt  }
0x3e: {  	_ =	shalt  }
0x3f: {  	_ =	shalt  }
0x40: {  	_ =	shalt  }
0x41: {  	_ =	shalt  }
0x42: {  	_ =	shalt  }
0x43: {  	_ =	shalt  }
0x44: {  	_ =	shalt  }
0x45: {  	_ =	shalt  }
0x46: {  	_ =	shalt  }
0x47: {  	_ =	shalt  }
0x48: {  	_ =	shalt  }
0x49: {  	_ =	shalt  }
0x4a: {  	_ =	shalt  }
0x4b: {  	_ =	shalt  }
0x4c: {  	_ =	shalt  }
0x4d: {  	_ =	shalt  }
0x4e: {  	_ =	shalt  }
0x4f: {  	_ =	shalt  }
0x50: {  	_ =	shalt  }
0x51: {  	_ =	shalt  }
0x52: {  	_ =	shalt  }
0x53: {  	_ =	shalt  }
0x54: {  	_ =	shalt  }
0x55: {  	_ =	shalt  }
0x56: {  	_ =	shalt  }
0x57: {  	_ =	shalt  }
0x58: {  	_ =	shalt  }
0x59: {  	_ =	shalt  }
0x5a: {  	_ =	shalt  }
0x5b: {  	_ =	shalt  }
0x5c: {  	_ =	shalt  }
0x5d: {  	_ =	shalt  }
0x5e: {  	_ =	shalt  }
0x5f: {  	_ =	shalt  }
0x60: {  	_ =	shalt  }
0x61: {  	_ =	shalt  }
0x62: {  	_ =	shalt  }
0x63: {  	_ =	shalt  }
0x64: {  	_ =	shalt  }
0x65: {  	_ =	shalt  }
0x66: {  	_ =	shalt  }
0x67: {  	_ =	shalt  }
0x68: {  	_ =	shalt  }
0x69: {  	_ =	shalt  }
0x6a: {  	_ =	shalt  }
0x6b: {  	_ =	shalt  }
0x6c: {  	_ =	shalt  }
0x6d: {  	_ =	shalt  }
0x6e: {  	_ =	shalt  }
0x6f: {  	_ =	shalt  }
0x70: {  	_ =	shalt  }
0x71: {  	_ =	shalt  }
0x72: {  	_ =	shalt  }
0x73: {  	_ =	shalt  }
0x74: {  	_ =	shalt  }
0x75: {  	_ =	shalt  }
0x76: {  	_ =	shalt  }
0x77: {  	_ =	shalt  }
0x78: {  	_ =	shalt  }
0x79: {  	_ =	shalt  }
0x7a: {  	_ =	shalt  }
0x7b: {  	_ =	shalt  }
0x7c: {  	_ =	shalt  }
0x7d: {  	_ =	shalt  }
0x7e: {  	_ =	shalt  }
0x7f: {  	_ =	shalt  }
0x80: {  	_ =	shalt  }
0x81: {  	_ =	shalt  }
0x82: {  	_ =	shalt  }
0x83: {  	_ =	shalt  }
0x84: {  	_ =	shalt  }
0x85: {  	_ =	shalt  }
0x86: {  	_ =	shalt  }
0x87: {  	_ =	shalt  }
.Lfunc_end0:
.L_simem_size_0:
called_computation_lowered:
.L_overlay_start_0:
0x88: {  	s2 =	sld [smem:$0x3FD9]  }
0x89: {  	s3 =	sld [smem:$0x3FFE];
	_ =	sdelay $0x1  }
0x8a: {  	s1 =	srdreg.scid  }
0x8b: {  	s0 =	sand.u32 $0x1, s1  }
0x8c: {  	s14 =	sshll.u32 s0, $0xA;
	s2 =	sadd.s32 s3, s2  }
0x8d: {  	s2 =	sadd.s32 s2, s14  }
0x8e: {  	[smem:$0x3FC5] =	sst s2  }
0x8f: {  	_ = 	snop  }
0x90: {  	s2 =	sld [smem:$0x3FD0];
	_ =	sdelay $0x2  }
0x91: {  	s15 =	simm.s32 $0xA;
	s4 =	simm.s32 $0x10  }
0x92: {  	[smem:s4], [sflag:s15] =	dma.local [hbm:s2], $0x1  }
0x93: {  	_ =	swait.eq [sflag:s15], $0x1  }
0x94: {  	[sflag:s15] =	ssyncset.done $0x0  }
0x95: {  	s16 =	sld [smem:$0x10];
	[sflag:s15] =	ssyncadd.s32 $0xFFFFFFFF  }
0x96: {  	s17 =	sld [smem:$0x11];
	(tm) =	ssettm $0x1  }
0x97: {  	s18 =	sld [smem:$0x3FFB];
	_ =	sdelay $0x3  }
0x98: {  	_ =	strace s18  }
0x99: {  	s4 =	sld [smem:$0x3FFC];
	_ =	sdelay $0x3  }
0x9a: {  	_ =	strace s4  }
0x9b: {  	s4 =	sld [smem:$0x3FFD];
	_ =	sdelay $0x3  }
0x9c: {  	_ =	strace s4  }
0x9d: {  	_ =	strace $0x8FFFFFFF  }
0x9e: {  	s19 =	sld [smem:$0x3FDB];
	_ =	sdelay $0x1  }
0x9f: {  	s5 =	simm.s32 $_scs_section_size  }
0xa0: {  	s6 =	simm.s32 $_size__tile_overlayer_lowered;
	s7 =	simm.s32 $_tile_overlayer_lowered  }
0xa1: {  	s22 =	simm.s32 $0x1BFF;
	s21 =	sshll.u32 s7, $0x1;
	s4 =	sadd.s32 s5, s19  }
0xa2: {  	s8 =	simm.s32 $0x0;
	s20 =	sshll.u32 s6, $0x1;
	s6 =	sadd.s32 s21, s4  }
0xa3: {  	[timem:s8], [sflag:s22] =	dma.local [hbm:s6], s20  }
0xa4: {  	_ =	swait.ge [sflag:s22], s20  }
0xa5: {  	s5 =	ssub.s32 $0x0, s20;
	[sflag:s22] =	ssyncset.done $0x0  }
0xa6: {  	[sflag:s22] =	ssyncadd.s32 s5;
	_ =	sdelay $0x1  }
0xa7: {  	s23 =	simm.s32 $0x1B8B  }
0xa8: {  	_ =	swait.ge [sflag:s23], $0x1  }
0xa9: {  	[sflag:s23] =	ssyncset.done $0x0  }
0xaa: {  	s25 =	simm.s32 $0x1B8E;
	s24 =	sld [smem:$0x3FFE];
	[sflag:s23] =	ssyncadd.s32 $0xFFFFFFFF  }
0xab: {  	s26 =	simm.s32 $execute0_lowered;
	[smem:$0x3FD2] =	sst s25  }
0xac: {  	s6 =	sshll.u32 s26, $0x1;
	_ =	strace $0x80000046;
	[dreg:$0x1] =	wrdreg $0xFFFFFFFF  }
0xad: {  	s28 =	simm.s32 $_size_execute0_lowered;
	s4 =	sadd.s32 s4, s6;
	[dreg:$0x0] =	wrdreg $0x0  }
0xae: {  	s6 =	sshll.u32 s28, $0x1;
	[dreg:$0x2] =	wrdreg s4  }
0xaf: {  	[dreg:$0x3] =	wrdreg s6  }
0xb0: {  	[dreg:$0x4] =	wrdreg $0xC0  }
0xb1: {  	_ =	task [dreg:s8], $0x5FFFF  }
0xb2: {  	[dreg:$0x1] =	wrdreg $0xFFFFFFFF  }
0xb3: {  	[dreg:$0x0] =	wrdreg $0x60  }
0xb4: {  	[dreg:$0x2] =	wrdreg s24  }
0xb5: {  	[dreg:$0x3] =	wrdreg s16  }
0xb6: {  	[dreg:$0x4] =	wrdreg s17  }
0xb7: {  	[dreg:$0x5] =	wrdreg $0x9  }
0xb8: {  	_ =	task.clear_ibuf [dreg:s8], $0x6FFFF;
	_ =	strace $0x90000046  }
0xb9: {  	s29 =	simm.s32 $0x9;
	_ =	strace $0x80000048  }
0xba: {  	_ =	swait.ge [sflag:s29], $0x1  }
0xbb: {  	[sflag:s29] =	ssyncadd.s32 $0xFFFFFFFF  }
0xbc: {  	_ =	strace $0x90000048  }
0xbd: {  	_ =	sfence  }
0xbe: {  	s30 =	sld [smem:$0x0];
	_ =	sdelay $0x2  }
0xbf: {  	s31 =	sshll.u32 s1, $0xD;
	s1 =	sshrl.u32 s1, $0x2  }
0xc0: {  	s3 =	sand.u32 $0x4000, s31;
	s1 =	sadd.s32 s1, s30  }
0xc1: {  	s0 =	sor.u32 s3, s0;
	s1 =	sshll.u32 s1, $0x11  }
0xc2: {  	s0 =	sor.u32 s1, s0  }
0xc3: {  	s0 =	sadd.s32 $0x8F2B, s0  }
0xc4: {  	[sflag:s0] =	ssyncadd.remote.s32 $0x1  }
0xc5: {  	_ =	sfence.sel $0xFFFF  }
0xc6: {  	[dreg:$0x0] =	wrdreg $0xFFFFFFFF;
	(pc) =	sbr.abs _section_cstart, $3  }
0xc7: {  	[dreg:$0x1] =	wrdreg $0xFFFFFFFF  }
0xc8: {  	_ =	task.clear_ibuf [dreg:s8], $0x2FFFF;
	_ =	strace $0x9FFFFFFF  }
0xc9: {  	(tm) =	ssettm $0x7FFFFFFF  }
tec
execute0_lowered:
.L_overlay_start_1:
0x0: {  	(tag) =	ssettag $0x1  }
0x1: {  	s3 =	rddreg [dreg:$0x0]  }
0x2: {  	s0 =	srdreg.scid;
	s4 =	rddreg [dreg:$0x1]  }
0x3: {  	s6 =	rddreg [dreg:$0x2];
	s1 =	stileid.u32;
	s11 =	simm.s32 $0x2800  }
0x4: {  	s12 =	simm.s32 $0x2000;
	s13 =	simm.s32 $0x2400;
	s14 =	simm.s32 $0x0  }
0x5: {  	s5 =	sand.u32 $0x1, s0;
	s0 =	rddreg [dreg:$0x3];
	s9 =	sshll.u32 s1, $0x7  }
0x6: {  	s2 =	sshll.u32 s5, $0x4;
	s9 =	sand.u32 $0x380, s9;
	s5 =	ssub.s32 $0x2, s5  }
0x7: {  	s7 =	sor.u32 s1, s2;
	s2 =	simm.s32 $0x0;
	s31 =	sshrl.u32 s5, $0x1  }
0x8: {  	s8 =	sshll.u32 s7, $0x7;
	[smem:$0x7FF] =	sst s2;
	s7 =	sshll.u32 s7, $0x9  }
0x9: {  	s10 =	sand.u32 $0xC00, s8;
	_ =	strace $0x80000047;
	s7 =	sadd.s32 s7, s3  }
0xa: {  	s4 =	sadd.s32 s4, s8;
	s9 =	sor.u32 s9, s10;
	s10 =	ssub.s32 s5, s31  }
0xb: {  	s5 =	sadd.s32 s6, s8;
	s8 =	simm.s32 $0x1000;
	s9 =	sshrl.u32 s9, $0x3  }
0xc: {  	s9 =	sadd.s32 s9, s3;
	s3 =	sadd.s32 $0x1000, s7;
	s7 =	smax.u32 s10, $0x1  }
0xd: {  	v0 =	vimm.f32 $0.0e+00;
	v1 =	vimm.s32 $0x0;
	v2 =	vimm.f32 $1.000000000e+00;
	s10 =	simm.s32 $0x1;
	s6 =	sadd.s32 $0x9000, s9;
	s9 =	simm.s32 $0x20000  }
.LBB2_1:
0xe: {  	[tilespmem:s2], [sflag:$0x1] =	stream.strided.gather [hbm4b:s3+s8], $0x2000, s9, s8, $0x38;
	[tilespmem:$0x2880] =	vst v63  }
0xf: {  	_ =	swait.ge [sflag:s10], $0x2000  }
0x10: {  	s16 =	simm.s32 $0x0;
	[sflag:s10] =	ssyncset.done $0x0  }
0x11: {  	s15 =	sand.u32 $0x70, s2;
	s16 =	sand.u32 $0x3FFFFC00, s16;
	[sflag:s10] =	ssyncadd.s32 $0xFFFFE000  }
0x12: {  	s16 =	sor.u32 s15, s16;
	[tilespmem:$0x2800] =	vst v0  }
0x13: {  	v3 =	vld [tilespmem:s16+$0x0];
	_ =	sdelay $0x1  }
0x14: {  	v4 =	vld [tilespmem:s16+$0x80];
	_ =	sdelay $0x2  }
0x15: {  	vm0 =	vgt.f32 v3, $-Inf  }
0x16: {  	v5 =	vld [tilespmem:s16+$0x100];
	v3 =	vnsel vm0, $0xFF800000, v3  }
0x17: {  	vm1 =	vlt.f32 v4, $-Inf;
	vm2 =	vgt.f32 v4, $-Inf;
	vm0 =	vgt.f32 v4, v3  }
0x18: {  	vm1 =	vmor vm2, vm1;
	vm3 =	vmneg vm0  }
0x19: {  	vm7 =	vmand vm1, vm3  }
0x1a: {  	v7 =	vld [tilespmem:s16+$0x180];
	v6 =	vsel vm3, v3, v4;
	v4 =	vnsel vm7, $0xFF800000, v4  }
0x1b: {  	vm12 =	vgt.f32 v5, v6;
	v3 =	vsel vm3, v4, v3  }
0x1c: {  	vm5 =	vmneg vm12;
	vm13 =	vgt.f32 v5, v3  }
0x1d: {  	vm10 =	vmand vm5, vm13  }
0x1e: {  	v8 =	vld [tilespmem:s16+$0x200];
	v4 =	vsel vm5, v6, v5;
	v3 =	vsel vm10, v5, v3  }
0x1f: {  	vm14 =	vgt.f32 v7, v4;
	v3 =	vsel vm5, v3, v6  }
0x20: {  	vm1 =	vmneg vm14;
	vm15 =	vgt.f32 v7, v3  }
0x21: {  	vm8 =	vmand vm1, vm15  }
0x22: {  	v5 =	vsel vm1, v4, v7;
	v6 =	vld [tilespmem:s16+$0x280];
	v3 =	vsel vm8, v7, v3  }
0x23: {  	vm4 =	vgt.f32 v8, v5;
	v3 =	vsel vm1, v3, v4  }
0x24: {  	vm3 =	vmneg vm4;
	vm6 =	vgt.f32 v8, v3  }
0x25: {  	vm11 =	vmand vm3, vm6  }
0x26: {  	v7 =	vld [tilespmem:s16+$0x300];
	v4 =	vsel vm3, v5, v8;
	v3 =	vsel vm11, v8, v3  }
0x27: {  	vm9 =	vgt.f32 v6, v4;
	v3 =	vsel vm3, v3, v5  }
0x28: {  	vm4 =	vmneg vm9;
	vm12 =	vgt.f32 v6, v3  }
0x29: {  	vm9 =	vmand vm4, vm12  }
0x2a: {  	v5 =	vsel vm4, v4, v6;
	v3 =	vsel vm9, v6, v3;
	v6 =	vld [tilespmem:s16+$0x380]  }
0x2b: {  	vm13 =	vgt.f32 v7, v5;
	v3 =	vsel vm4, v3, v4  }
0x2c: {  	vm2 =	vmneg vm13;
	vm6 =	vgt.f32 v7, v3  }
0x2d: {  	v9 =	vsel vm0, $0x1, v1;
	vm6 =	vmand vm2, vm6  }
0x2e: {  	v57 =	vld [tilespmem:s16+$0x1000];
	v4 =	vsel vm7, $0x1, v1;
	v3 =	vsel vm6, v7, v3;
	v7 =	vsel vm2, v5, v7  }
0x2f: {  	v4 =	vsel vm10, $0x2, v4;
	v3 =	vsel vm2, v3, v5;
	vm14 =	vgt.f32 v6, v7  }
0x30: {  	v4 =	vsel vm5, v4, v9;
	vm0 =	vmneg vm14;
	vm15 =	vgt.f32 v6, v3  }
0x31: {  	v4 =	vsel vm8, $0x3, v4;
	v5 =	vnsel vm5, $0x2, v9;
	vm7 =	vmand vm0, vm15  }
0x32: {  	v58 =	vld [tilespmem:s16+$0x1080];
	v4 =	vsel vm1, v4, v5;
	v3 =	vsel vm7, v6, v3;
	v6 =	vsel vm0, v7, v6  }
0x33: {  	v5 =	vnsel vm1, $0x3, v5;
	v3 =	vsel vm0, v3, v7;
	vm10 =	vgt.f32 v57, v6  }
0x34: {  	v4 =	vsel vm11, $0x4, v4;
	vm5 =	vmneg vm10;
	vm12 =	vgt.f32 v57, v3  }
0x35: {  	v4 =	vsel vm3, v4, v5;
	vm8 =	vmand vm5, vm12  }
0x36: {  	v59 =	vld [tilespmem:s16+$0x1100];
	v5 =	vnsel vm3, $0x4, v5;
	v7 =	vsel vm5, v6, v57;
	v3 =	vsel vm8, v57, v3  }
0x37: {  	v4 =	vsel vm9, $0x5, v4;
	vm13 =	vgt.f32 v58, v7;
	v3 =	vsel vm5, v3, v6  }
0x38: {  	v4 =	vsel vm4, v4, v5;
	vm1 =	vmneg vm13;
	vm14 =	vgt.f32 v58, v3  }
0x39: {  	v5 =	vnsel vm4, $0x5, v5;
	v4 =	vsel vm6, $0x6, v4;
	vm15 =	vmand vm1, vm14  }
0x3a: {  	v60 =	vld [tilespmem:s16+$0x1180];
	v4 =	vsel vm2, v4, v5;
	v6 =	vsel vm1, v7, v58;
	v3 =	vsel vm15, v58, v3  }
0x3b: {  	v5 =	vnsel vm2, $0x6, v5;
	vm6 =	vgt.f32 v59, v6;
	v3 =	vsel vm1, v3, v7  }
0x3c: {  	v4 =	vsel vm7, $0x7, v4;
	vm3 =	vmneg vm6;
	vm10 =	vgt.f32 v59, v3  }
0x3d: {  	v4 =	vsel vm0, v4, v5;
	vm11 =	vmand vm3, vm10  }
0x3e: {  	v5 =	vnsel vm0, $0x7, v5;
	v7 =	vld [tilespmem:s16+$0x1200];
	v8 =	vsel vm3, v6, v59;
	v3 =	vsel vm11, v59, v3  }
0x3f: {  	v4 =	vsel vm8, $0x8, v4;
	vm12 =	vgt.f32 v60, v8;
	v3 =	vsel vm3, v3, v6  }
0x40: {  	v4 =	vsel vm5, v4, v5;
	vm0 =	vmneg vm12;
	vm13 =	vgt.f32 v60, v3  }
0x41: {  	v5 =	vnsel vm5, $0x8, v5;
	v4 =	vsel vm15, $0x9, v4;
	vm4 =	vmand vm0, vm13  }
0x42: {  	v61 =	vld [tilespmem:s16+$0x1280];
	v4 =	vsel vm1, v4, v5;
	v6 =	vsel vm0, v8, v60;
	v3 =	vsel vm4, v60, v3  }
0x43: {  	v5 =	vnsel vm1, $0x9, v5;
	vm14 =	vgt.f32 v7, v6;
	v3 =	vsel vm0, v3, v8  }
0x44: {  	v4 =	vsel vm11, $0xA, v4;
	vm5 =	vmneg vm14;
	vm15 =	vgt.f32 v7, v3  }
0x45: {  	v4 =	vsel vm3, v4, v5;
	vm6 =	vmand vm5, vm15  }
0x46: {  	v62 =	vld [tilespmem:s16+$0x1300];
	v5 =	vnsel vm3, $0xA, v5;
	v3 =	vsel vm6, v7, v3;
	v7 =	vsel vm5, v6, v7  }
0x47: {  	v4 =	vsel vm4, $0xB, v4;
	v3 =	vsel vm5, v3, v6;
	vm7 =	vgt.f32 v61, v7  }
0x48: {  	v4 =	vsel vm0, v4, v5;
	vm2 =	vmneg vm7;
	vm8 =	vgt.f32 v61, v3  }
0x49: {  	v4 =	vsel vm6, $0xC, v4;
	vm9 =	vmand vm2, vm8  }
0x4a: {  	v6 =	vnsel vm0, $0xB, v5;
	v5 =	vld [tilespmem:s16+$0x1380];
	v9 =	vsel vm2, v7, v61;
	v3 =	vsel vm9, v61, v3  }
0x4b: {  	v4 =	vsel vm5, v4, v6;
	vm10 =	vgt.f32 v62, v9;
	v3 =	vsel vm2, v3, v7  }
0x4c: {  	v6 =	vnsel vm5, $0xC, v6;
	vm1 =	vmneg vm10;
	vm11 =	vgt.f32 v62, v3  }
0x4d: {  	v4 =	vsel vm9, $0xD, v4;
	v7 =	vnsel vm2, $0xD, v6;
	vm12 =	vmand vm1, vm11  }
0x4e: {  	v4 =	vsel vm2, v4, v6;
	v6 =	vsel vm1, v9, v62;
	v3 =	vsel vm12, v62, v3  }
0x4f: {  	s30 =	simm.s32 $0x0;
	v63 =	vnsel vm1, $0xE, v7;
	vm13 =	vgt.f32 v5, v6;
	v8 =	vsel vm1, v3, v9  }
0x50: {  	s16 =	sand.u32 $0xFFFFFF00, s30;
	v4 =	vsel vm12, $0xE, v4;
	vm0 =	vmneg vm13;
	vm14 =	vgt.f32 v5, v8  }
0x51: {  	s20 =	sor.u32 s15, s16;
	v10 =	vsel vm0, v6, v5;
	v4 =	vsel vm1, v4, v7;
	vm15 =	vmand vm0, vm14  }
0x52: {  	v3 =	vnsel vm0, $0xF, v63;
	[tilespmem:s20+$0x2400] =	vst v10;
	v4 =	vsel vm15, $0xF, v4  }
0x53: {  	s31 =	simm.s32 $0x10;
	s21 =	simm.s32 $0x2;
	s22 =	simm.s32 $0x80;
	[tilespmem:s20+$0x2000] =	vst v3;
	v5 =	vsel vm15, v5, v8;
	v7 =	vsel vm0, v4, v63  }
0x54: {  	s17 =	simm.s32 $0x20;
	s16 =	simm.s32 $0x1;
	s15 =	sand.u32 $0x70, s31;
	v4 =	vsel vm0, v5, v6;
	[tilespmem:s20+$0x2080] =	vst v7  }
.LBB2_2:
0x55: {  	s19 =	sand.u32 $0x70, s17  }
0x56: {  	s22 =	sand.u32 $0x3FFFFC00, s22;
	[tilespmem:s20+$0x2480] =	vst v4;
	s20 =	smov.u32 s21;
	s18 =	sadd.s32 $0x1, s21  }
0x57: {  	p0 =	sne.s32 s21, $0x1F;
	s21 =	sor.u32 s15, s22;
	[tilespmem:v3+s11+$0x0] =	vst.idx.add.f32.msk $0xffff, v2  }
0x58: {  	v3 =	vld [tilespmem:s21+$0x0];
	_ =	sdelay $0x1  }
0x59: {  	v4 =	vld [tilespmem:s21+$0x80];
	_ =	sdelay $0x2  }
0x5a: {  	vm0 =	vgt.f32 v3, $-Inf;
	v5 =	vld [tilespmem:s21+$0x100]  }
0x5b: {  	v3 =	vnsel vm0, $0xFF800000, v3  }
0x5c: {  	vm0 =	vgt.f32 v4, v3;
	vm1 =	vlt.f32 v4, $-Inf;
	vm2 =	vgt.f32 v4, $-Inf  }
0x5d: {  	vm3 =	vmneg vm0;
	vm1 =	vmor vm2, vm1  }
0x5e: {  	vm1 =	vmand vm1, vm3;
	v6 =	vsel vm3, v3, v4;
	v7 =	vld [tilespmem:s21+$0x180]  }
0x5f: {  	v4 =	vnsel vm1, $0xFF800000, v4;
	vm2 =	vgt.f32 v5, v6  }
0x60: {  	v3 =	vsel vm3, v4, v3  }
0x61: {  	vm2 =	vmneg vm2;
	vm3 =	vgt.f32 v5, v3  }
0x62: {  	v4 =	vsel vm2, v6, v5;
	vm3 =	vmand vm2, vm3;
	v8 =	vld [tilespmem:s21+$0x200]  }
0x63: {  	v9 =	vsel vm1, $0x1, v1;
	v3 =	vsel vm3, v5, v3;
	vm1 =	vgt.f32 v7, v4  }
0x64: {  	v5 =	vsel vm0, $0x1, v1;
	v9 =	vsel vm3, $0x2, v9;
	v3 =	vsel vm2, v3, v6  }
0x65: {  	v6 =	vnsel vm2, $0x2, v5;
	vm0 =	vmneg vm1;
	vm1 =	vgt.f32 v7, v3  }
0x66: {  	v5 =	vsel vm2, v9, v5;
	v9 =	vsel vm0, v4, v7;
	vm1 =	vmand vm0, vm1  }
0x67: {  	v5 =	vsel vm1, $0x3, v5;
	v3 =	vsel vm1, v7, v3;
	vm1 =	vgt.f32 v8, v9;
	v7 =	vld [tilespmem:s21+$0x280]  }
0x68: {  	v5 =	vsel vm0, v5, v6;
	v3 =	vsel vm0, v3, v4  }
0x69: {  	vm1 =	vmneg vm1;
	vm2 =	vgt.f32 v8, v3  }
0x6a: {  	vm2 =	vmand vm1, vm2  }
0x6b: {  	v4 =	vsel vm2, $0x4, v5;
	v3 =	vsel vm2, v8, v3;
	v5 =	vsel vm1, v9, v8;
	v8 =	vld [tilespmem:s21+$0x300]  }
0x6c: {  	v3 =	vsel vm1, v3, v9;
	vm2 =	vgt.f32 v7, v5  }
0x6d: {  	v6 =	vnsel vm0, $0x3, v6;
	vm0 =	vmneg vm2;
	vm2 =	vgt.f32 v7, v3  }
0x6e: {  	v4 =	vsel vm1, v4, v6;
	v6 =	vnsel vm1, $0x4, v6;
	vm1 =	vmand vm0, vm2  }
0x6f: {  	v4 =	vsel vm1, $0x5, v4;
	v3 =	vsel vm1, v7, v3;
	v7 =	vsel vm0, v5, v7;
	v9 =	vld [tilespmem:s21+$0x380]  }
0x70: {  	v4 =	vsel vm0, v4, v6;
	v3 =	vsel vm0, v3, v5;
	vm1 =	vgt.f32 v8, v7  }
0x71: {  	vm1 =	vmneg vm1;
	vm2 =	vgt.f32 v8, v3  }
0x72: {  	v5 =	vnsel vm0, $0x5, v6;
	vm0 =	vmand vm1, vm2  }
0x73: {  	v6 =	vsel vm1, v7, v8;
	v4 =	vsel vm0, $0x6, v4;
	v3 =	vsel vm0, v8, v3;
	v8 =	vld [tilespmem:s21+$0x1000]  }
0x74: {  	v4 =	vsel vm1, v4, v5;
	v3 =	vsel vm1, v3, v7;
	vm0 =	vgt.f32 v9, v6  }
0x75: {  	vm0 =	vmneg vm0;
	vm2 =	vgt.f32 v9, v3  }
0x76: {  	v5 =	vnsel vm1, $0x6, v5;
	vm1 =	vmand vm0, vm2;
	v7 =	vld [tilespmem:s21+$0x1080]  }
0x77: {  	v4 =	vsel vm1, $0x7, v4;
	v3 =	vsel vm1, v9, v3;
	v9 =	vsel vm0, v6, v9  }
0x78: {  	v4 =	vsel vm0, v4, v5;
	v3 =	vsel vm0, v3, v6;
	vm1 =	vgt.f32 v8, v9  }
0x79: {  	v5 =	vnsel vm0, $0x7, v5;
	vm0 =	vmneg vm1;
	vm1 =	vgt.f32 v8, v3  }
0x7a: {  	vm1 =	vmand vm0, vm1;
	v6 =	vsel vm0, v9, v8;
	v10 =	vld [tilespmem:s21+$0x1100]  }
0x7b: {  	v4 =	vsel vm1, $0x8, v4;
	v3 =	vsel vm1, v8, v3;
	vm1 =	vgt.f32 v7, v6  }
0x7c: {  	v4 =	vsel vm0, v4, v5;
	v3 =	vsel vm0, v3, v9  }
0x7d: {  	vm1 =	vmneg vm1;
	vm2 =	vgt.f32 v7, v3  }
0x7e: {  	v5 =	vnsel vm0, $0x8, v5;
	v8 =	vsel vm1, v6, v7;
	vm0 =	vmand vm1, vm2;
	v9 =	vld [tilespmem:s21+$0x1180]  }
0x7f: {  	v4 =	vsel vm0, $0x9, v4;
	v3 =	vsel vm0, v7, v3;
	vm0 =	vgt.f32 v10, v8  }
0x80: {  	v4 =	vsel vm1, v4, v5;
	v3 =	vsel vm1, v3, v6  }
0x81: {  	vm0 =	vmneg vm0;
	vm2 =	vgt.f32 v10, v3;
	v6 =	vld [tilespmem:s21+$0x1200]  }
0x82: {  	v5 =	vnsel vm1, $0x9, v5;
	v7 =	vsel vm0, v8, v10;
	vm1 =	vmand vm0, vm2  }
0x83: {  	v4 =	vsel vm1, $0xA, v4;
	v3 =	vsel vm1, v10, v3;
	vm1 =	vgt.f32 v9, v7  }
0x84: {  	v4 =	vsel vm0, v4, v5;
	v3 =	vsel vm0, v3, v8;
	vm1 =	vmneg vm1  }
0x85: {  	v5 =	vnsel vm0, $0xA, v5;
	vm0 =	vgt.f32 v9, v3;
	v8 =	vsel vm1, v7, v9  }
0x86: {  	v10 =	vnsel vm1, $0xB, v5;
	vm0 =	vmand vm1, vm0;
	vm2 =	vgt.f32 v6, v8  }
0x87: {  	v4 =	vsel vm0, $0xB, v4;
	v3 =	vsel vm0, v9, v3;
	v9 =	vld [tilespmem:s21+$0x1280]  }
0x88: {  	v4 =	vsel vm1, v4, v5;
	v3 =	vsel vm1, v3, v7  }
0x89: {  	vm0 =	vmneg vm2;
	vm1 =	vgt.f32 v6, v3  }
0x8a: {  	vm1 =	vmand vm0, vm1  }
0x8b: {  	v5 =	vsel vm0, v8, v6;
	v4 =	vsel vm1, $0xC, v4;
	v3 =	vsel vm1, v6, v3;
	v6 =	vld [tilespmem:s21+$0x1300]  }
0x8c: {  	v4 =	vsel vm0, v4, v10;
	v3 =	vsel vm0, v3, v8;
	vm1 =	vgt.f32 v9, v5  }
0x8d: {  	vm1 =	vmneg vm1;
	vm2 =	vgt.f32 v9, v3  }
0x8e: {  	vm2 =	vmand vm1, vm2;
	v7 =	vld [tilespmem:s21+$0x1380]  }
0x8f: {  	v8 =	vsel vm1, v5, v9;
	v4 =	vsel vm2, $0xD, v4;
	v3 =	vsel vm2, v9, v3  }
0x90: {  	v9 =	vnsel vm0, $0xC, v10;
	v3 =	vsel vm1, v3, v5;
	vm0 =	vgt.f32 v6, v8  }
0x91: {  	v5 =	vnsel vm1, $0xD, v9;
	vm0 =	vmneg vm0;
	vm2 =	vgt.f32 v6, v3  }
0x92: {  	v4 =	vsel vm1, v4, v9;
	vm1 =	vmand vm0, vm2;
	v9 =	vsel vm0, v8, v6  }
0x93: {  	s21 =	sshll.u32 s16, $0x5;
	s16 =	smov.u32 s20;
	v4 =	vsel vm1, $0xE, v4;
	v3 =	vsel vm1, v6, v3;
	vm1 =	vgt.f32 v7, v9  }
0x94: {  	s20 =	sand.u32 $0xFFFFFF00, s21;
	v6 =	vsel vm0, v3, v8;
	v8 =	vnsel vm0, $0xE, v5;
	vm1 =	vmneg vm1  }
.Ltmp0:
0x95: {  	s20 =	sor.u32 s15, s20;
	s15 =	smov.u32 s19;
	vm2 =	vgt.f32 v7, v6;
	v3 =	vnsel vm1, $0xF, v8;
	v10 =	vsel vm1, v9, v7;
	(pc) =	sbr.rel @p0 .LBB2_2-.Ltmp0, $4  }
0x96: {  	v4 =	vsel vm0, v4, v5;
	vm0 =	vmand vm1, vm2;
	[tilespmem:s20+$0x2400] =	vst v10  }
0x97: {  	v4 =	vsel vm0, $0xF, v4;
	v5 =	vsel vm0, v7, v6;
	[tilespmem:s20+$0x2000] =	vst v3  }
0x98: {  	v6 =	vsel vm1, v4, v8;
	v4 =	vsel vm1, v5, v9  }
0x99: {  	s17 =	sadd.s32 $0x10, s17;
	s22 =	sshll.u32 s16, $0x7;
	s21 =	smov.u32 s18;
	[tilespmem:s20+$0x2080] =	vst v6  }
0x9a: {  	_ =	sdelay $0x2  }
0x9b: {  	s17 =	sand.u32 $0x3FFFFC00, s22;
	[tilespmem:s20+$0x2480] =	vst v4  }
0x9c: {  	s17 =	sor.u32 s15, s17;
	[tilespmem:v3+s11+$0x0] =	vst.idx.add.f32.msk $0xffff, v2  }
0x9d: {  	v3 =	vld [tilespmem:s17+$0x0];
	_ =	sdelay $0x1  }
0x9e: {  	v4 =	vld [tilespmem:s17+$0x80];
	_ =	sdelay $0x2  }
0x9f: {  	vm0 =	vgt.f32 v3, $-Inf  }
0xa0: {  	v5 =	vld [tilespmem:s17+$0x100];
	v3 =	vnsel vm0, $0xFF800000, v3  }
0xa1: {  	vm15 =	vlt.f32 v4, $-Inf;
	vm2 =	vgt.f32 v4, $-Inf;
	vm1 =	vgt.f32 v4, v3  }
0xa2: {  	vm0 =	vmor vm2, vm15;
	vm3 =	vmneg vm1  }
0xa3: {  	vm6 =	vmand vm0, vm3  }
0xa4: {  	v7 =	vld [tilespmem:s17+$0x180];
	v6 =	vsel vm3, v3, v4;
	v4 =	vnsel vm6, $0xFF800000, v4  }
0xa5: {  	vm4 =	vgt.f32 v5, v6;
	v3 =	vsel vm3, v4, v3  }
0xa6: {  	vm3 =	vmneg vm4;
	vm5 =	vgt.f32 v5, v3  }
0xa7: {  	vm8 =	vmand vm3, vm5  }
0xa8: {  	v8 =	vld [tilespmem:s17+$0x200];
	v40 =	vsel vm3, v6, v5;
	v3 =	vsel vm8, v5, v3  }
0xa9: {  	vm7 =	vgt.f32 v7, v40;
	v3 =	vsel vm3, v3, v6  }
0xaa: {  	vm0 =	vmneg vm7;
	vm9 =	vgt.f32 v7, v3  }
0xab: {  	vm9 =	vmand vm0, vm9  }
0xac: {  	v42 =	vld [tilespmem:s17+$0x280];
	v41 =	vsel vm0, v40, v7;
	v3 =	vsel vm9, v7, v3  }
0xad: {  	vm10 =	vgt.f32 v8, v41;
	v3 =	vsel vm0, v3, v40  }
0xae: {  	vm5 =	vmneg vm10;
	vm11 =	vgt.f32 v8, v3  }
0xaf: {  	vm10 =	vmand vm5, vm11  }
0xb0: {  	v44 =	vld [tilespmem:s17+$0x300];
	v43 =	vsel vm5, v41, v8;
	v3 =	vsel vm10, v8, v3  }
0xb1: {  	vm12 =	vgt.f32 v42, v43;
	v3 =	vsel vm5, v3, v41  }
0xb2: {  	vm2 =	vmneg vm12;
	vm4 =	vgt.f32 v42, v3  }
0xb3: {  	vm7 =	vmand vm2, vm4  }
0xb4: {  	v46 =	vld [tilespmem:s17+$0x380];
	v45 =	vsel vm2, v43, v42;
	v3 =	vsel vm7, v42, v3  }
0xb5: {  	vm13 =	vgt.f32 v44, v45;
	v3 =	vsel vm2, v3, v43  }
0xb6: {  	vm4 =	vmneg vm13;
	vm11 =	vgt.f32 v44, v3  }
0xb7: {  	v47 =	vsel vm6, $0x1, v1;
	vm6 =	vmand vm4, vm11  }
0xb8: {  	v9 =	vld [tilespmem:s17+$0x1000];
	v7 =	vsel vm4, v45, v44;
	v3 =	vsel vm6, v44, v3  }
0xb9: {  	v48 =	vsel vm1, $0x1, v1;
	vm14 =	vgt.f32 v46, v7;
	v3 =	vsel vm4, v3, v45  }
0xba: {  	v4 =	vsel vm8, $0x2, v47;
	vm1 =	vmneg vm14;
	vm15 =	vgt.f32 v46, v3  }
0xbb: {  	v49 =	vnsel vm3, $0x2, v48;
	v4 =	vsel vm3, v4, v48;
	vm8 =	vmand vm1, vm15  }
0xbc: {  	v50 =	vld [tilespmem:s17+$0x1080];
	v5 =	vnsel vm0, $0x3, v49;
	v6 =	vsel vm1, v7, v46;
	v3 =	vsel vm8, v46, v3  }
0xbd: {  	v4 =	vsel vm9, $0x3, v4;
	vm11 =	vgt.f32 v9, v6;
	v3 =	vsel vm1, v3, v7  }
0xbe: {  	v4 =	vsel vm0, v4, v49;
	vm0 =	vmneg vm11;
	vm12 =	vgt.f32 v9, v3  }
0xbf: {  	v4 =	vsel vm10, $0x4, v4;
	vm13 =	vmand vm0, vm12  }
0xc0: {  	v52 =	vld [tilespmem:s17+$0x1100];
	v4 =	vsel vm5, v4, v5;
	v51 =	vsel vm0, v6, v9;
	v3 =	vsel vm13, v9, v3  }
0xc1: {  	v5 =	vnsel vm5, $0x4, v5;
	vm14 =	vgt.f32 v50, v51;
	v3 =	vsel vm0, v3, v6  }
0xc2: {  	v4 =	vsel vm7, $0x5, v4;
	vm3 =	vmneg vm14;
	vm15 =	vgt.f32 v50, v3  }
0xc3: {  	v4 =	vsel vm2, v4, v5;
	v5 =	vnsel vm2, $0x5, v5;
	vm10 =	vmand vm3, vm15  }
0xc4: {  	v54 =	vld [tilespmem:s17+$0x1180];
	v4 =	vsel vm6, $0x6, v4;
	v53 =	vsel vm3, v51, v50;
	v3 =	vsel vm10, v50, v3  }
0xc5: {  	v4 =	vsel vm4, v4, v5;
	vm11 =	vgt.f32 v52, v53;
	v3 =	vsel vm3, v3, v51  }
0xc6: {  	v5 =	vnsel vm4, $0x6, v5;
	vm4 =	vmneg vm11;
	vm12 =	vgt.f32 v52, v3  }
0xc7: {  	v55 =	vld [tilespmem:s17+$0x1200];
	v4 =	vsel vm8, $0x7, v4;
	vm5 =	vmand vm4, vm12  }
0xc8: {  	v4 =	vsel vm1, v4, v5;
	v9 =	vsel vm4, v53, v52;
	v3 =	vsel vm5, v52, v3  }
0xc9: {  	v4 =	vsel vm13, $0x8, v4;
	vm13 =	vgt.f32 v54, v9;
	v3 =	vsel vm4, v3, v53  }
0xca: {  	v57 =	vld [tilespmem:s17+$0x1280];
	v5 =	vnsel vm1, $0x7, v5;
	vm1 =	vmneg vm13;
	vm14 =	vgt.f32 v54, v3  }
0xcb: {  	v4 =	vsel vm0, v4, v5;
	v56 =	vsel vm1, v9, v54;
	vm15 =	vmand vm1, vm14  }
0xcc: {  	v5 =	vnsel vm0, $0x8, v5;
	vm6 =	vgt.f32 v55, v56;
	v3 =	vsel vm15, v54, v3  }
0xcd: {  	v4 =	vsel vm10, $0x9, v4;
	vm2 =	vmneg vm6;
	v3 =	vsel vm1, v3, v9  }
0xce: {  	v58 =	vld [tilespmem:s17+$0x1300];
	v4 =	vsel vm3, v4, v5;
	v7 =	vsel vm2, v56, v55;
	vm7 =	vgt.f32 v55, v3  }
0xcf: {  	v5 =	vnsel vm3, $0x9, v5;
	vm8 =	vgt.f32 v57, v7;
	vm3 =	vmand vm2, vm7  }
0xd0: {  	v4 =	vsel vm5, $0xA, v4;
	vm0 =	vmneg vm8;
	v3 =	vsel vm3, v55, v3  }
0xd1: {  	v4 =	vsel vm4, v4, v5;
	v5 =	vnsel vm4, $0xA, v5;
	v3 =	vsel vm2, v3, v56  }
0xd2: {  	v59 =	vld [tilespmem:s17+$0x1380];
	v8 =	vsel vm0, v7, v57;
	v4 =	vsel vm15, $0xB, v4;
	vm9 =	vgt.f32 v57, v3  }
0xd3: {  	vm11 =	vgt.f32 v58, v8;
	v4 =	vsel vm1, v4, v5;
	vm10 =	vmand vm0, vm9  }
0xd4: {  	v5 =	vnsel vm1, $0xB, v5;
	vm1 =	vmneg vm11;
	v3 =	vsel vm10, v57, v3  }
0xd5: {  	v10 =	vsel vm1, v8, v58;
	v4 =	vsel vm3, $0xC, v4;
	v3 =	vsel vm0, v3, v7  }
0xd6: {  	v4 =	vsel vm2, v4, v5;
	v5 =	vnsel vm2, $0xC, v5;
	vm12 =	vgt.f32 v58, v3  }
0xd7: {  	vm13 =	vgt.f32 v59, v10;
	v60 =	vnsel vm0, $0xD, v5;
	vm2 =	vmand vm1, vm12  }
0xd8: {  	v61 =	vnsel vm1, $0xE, v60;
	v4 =	vsel vm10, $0xD, v4;
	v3 =	vsel vm2, v58, v3  }
0xd9: {  	s16 =	sshll.u32 s16, $0x5;
	v4 =	vsel vm0, v4, v5;
	vm0 =	vmneg vm13;
	v3 =	vsel vm1, v3, v8  }
0xda: {  	s16 =	sand.u32 $0xFFFFFF00, s16;
	v62 =	vnsel vm0, $0xF, v61;
	v4 =	vsel vm2, $0xE, v4;
	vm14 =	vgt.f32 v59, v3  }
0xdb: {  	s31 =	sor.u32 s15, s16;
	v63 =	vsel vm0, v10, v59;
	v4 =	vsel vm1, v4, v60;
	vm15 =	vmand vm0, vm14  }
0xdc: {  	[tilespmem:s31+$0x2400] =	vst v63;
	v4 =	vsel vm15, $0xF, v4  }
0xdd: {  	[tilespmem:s31+$0x2000] =	vst v62;
	v3 =	vsel vm15, v59, v3;
	v4 =	vsel vm0, v4, v61  }
0xde: {  	v3 =	vsel vm0, v3, v10;
	[tilespmem:s31+$0x2080] =	vst v4  }
0xdf: {  	[tilespmem:s31+$0x2480] =	vst v3  }
0xe0: {  	[tilespmem:v62+s11+$0x0] =	vst.idx.add.f32.msk $0xffff, v2  }
0xe1: {  	[hbm4b:s4+s2] =	stream.linear.scatter [tilespmem:s12], [sflag:$0x1], $0x400, $0x38;
	[tilespmem:$0x2880] =	vst v63  }
0xe2: {  	_ =	swait.ge [sflag:s10], $0x400  }
0xe3: {  	[sflag:s10] =	ssyncset.done $0x0  }
0xe4: {  	[sflag:s10] =	ssyncadd.s32 $0xFFFFFC00  }
0xe5: {  	[hbm4b:s5+s2] =	stream.linear.scatter [tilespmem:s13], [sflag:$0x1], $0x400, $0x38;
	[tilespmem:$0x2880] =	vst v63  }
0xe6: {  	s14 =	sadd.s32 $0x1, s14;
	_ =	swait.ge [sflag:s10], $0x400  }
0xe7: {  	p0 =	sne.s32 s14, s7;
	[sflag:s10] =	ssyncset.done $0x0  }
.Ltmp1:
0xe8: {  	[sflag:s10] =	ssyncadd.s32 $0xFFFFFC00;
	(pc) =	sbr.rel @p0 .LBB2_1-.Ltmp1, $4  }
0xe9: {  	[hbm4b:s6+s2] =	stream.linear.scatter [tilespmem:s11], [sflag:$0x1], $0x80, $0x38;
	[tilespmem:$0x2880] =	vst v63  }
0xea: {  	_ =	swait.ge [sflag:s10], $0x80  }
0xeb: {  	[sflag:s10] =	ssyncset.done $0x0  }
0xec: {  	[sflag:s10] =	ssyncadd.s32 $0xFFFFFF80  }
0xed: {  	_ =	sfence.sel $0x180000  }
0xee: {  	[bflag:$0x0] =	sbarrier.arrive $0xFFFF  }
0xef: {  	p0 =	sne.s32 s1, $0x0;
	_ =	strace $0x90000047  }
0xf0: {  	s0 =	sadd.s32 @!p0 $0x100000, s0;
	[bflag:$0x2] =	sbarrier.arrive $0xFFFF  }
0xf1: {  	[sflag:s0] =	ssyncadd.tile.s32 @!p0 $0x1;
	_ =	shalt  }
.Lfunc_end2:
_tile_overlayer_lowered:
.L_overlay_start_2:
0xf2: {  	(tag) =	ssettag $0x2  }
0xf3: {  	s0 =	rddreg [dreg:$0x0];
	s2 =	stileid.u32  }
0xf4: {  	s1 =	rddreg [dreg:$0x1];
	p0 =	sne.s32 s2, $0x0  }
0xf5: {  	s3 =	rddreg [dreg:$0x2];
	[bflag:$0x3] =	sbarrier.arrive $0xFFFF;
	s2 =	simm.s32 @!p0 $0x1C01  }
0xf6: {  	[timem:s3], [sflag:s2] =	dma.local @!p0 [hbm:s0], s1  }
0xf7: {  	s0 =	simm.s32 @!p0 $0x1  }
0xf8: {  	_ =	swait.ge @!p0 [sflag:s0], s1  }
0xf9: {  	s1 =	ssub.s32 @!p0 $0x0, s1;
	[sflag:s0] =	ssyncset.done @!p0 $0x0  }
0xfa: {  	[sflag:s0] =	ssyncadd.s32 @!p0 s1  }
0xfb: {  	[bflag:$0x3] =	sbarrier.arrive $0xFFFF  }
0xfc: {  	_ =	shalt  }

</sc_bundles>
